<compile_context>
chip_gen: v7x
topology: tpu7x:2x2x1
jax: 0.10.2.dev20260603
libtpu: 0.0.44.dev20260713+nightly
codegen_flags: <defaults>
</compile_context>

<pallas_src>
import functools

import jax
import jax.numpy as jnp
from jax import lax
from jax.experimental import pallas as pl
from jax.experimental.pallas import tpu as pltpu
from jax.experimental.pallas import tpu_sc as plsc

NUM_SEGMENTS = 1024
NG = 8
NCHUNK = 4
LANES = 16
CW = 32
BLK = 256
_SELU_ALPHA = 1.6732632423543772
_SELU_SCALE = 1.0507009873554805


def _selu(x):
    return _SELU_SCALE * jnp.where(x > 0, x, _SELU_ALPHA * (jnp.exp(x) - 1.0))


def _sc_seg_sum(x3, seg2, *, n):
    nblk = n // BLK
    tail = n - nblk * BLK
    nstage = (nblk + NG - 1) // NG
    mesh = plsc.VectorSubcoreMesh(core_axis_name="c", subcore_axis_name="s",
                                  num_cores=2, num_subcores=16)

    @functools.partial(
        pl.kernel,
        out_type=[
            jax.ShapeDtypeStruct((NG, NCHUNK, NUM_SEGMENTS * CW), jnp.float32),
            jax.ShapeDtypeStruct((NG, NUM_SEGMENTS), jnp.float32),
        ],
        mesh=mesh,
        compiler_params=pltpu.CompilerParams(needs_layout_passes=False),
        scratch_types=[
            pltpu.VMEM((BLK, CW), jnp.float32),
            pltpu.VMEM((BLK, CW), jnp.float32),
            pltpu.VMEM((BLK // LANES, LANES), jnp.int32),
            pltpu.VMEM((BLK // LANES, LANES), jnp.int32),
            pltpu.VMEM((NUM_SEGMENTS * CW,), jnp.float32),
            pltpu.VMEM((NUM_SEGMENTS,), jnp.float32),
            pltpu.SemaphoreType.DMA,
            pltpu.SemaphoreType.DMA,
        ],
    )
    def seg_sum(x_hbm, seg_hbm, sums_hbm, cnts_hbm,
                xb0, xb1, sb0, sb1, acc, cnt, sem0, sem1):
        wid = lax.axis_index("s") * 2 + lax.axis_index("c")
        g = wid // NCHUNK
        c = wid % NCHUNK

        iota = lax.iota(jnp.int32, LANES)
        zeros = jnp.zeros((LANES,), jnp.float32)
        ones = jnp.ones((LANES,), jnp.float32)
        cmask = lax.broadcast(c == 0, (LANES,))

        def zero_body(i, carry):
            acc[pl.ds(i * LANES, LANES)] = zeros
            return carry
        lax.fori_loop(0, NUM_SEGMENTS * CW // LANES, zero_body, 0)

        def zero_cnt(i, carry):
            cnt[pl.ds(i * LANES, LANES)] = zeros
            return carry
        lax.fori_loop(0, NUM_SEGMENTS // LANES, zero_cnt, 0)

        xbufs = (xb0, xb1)
        sbufs = (sb0, sb1)
        sems = (sem0, sem1)

        def mk(k, buf):
            b = g + NG * k
            cp1 = pltpu.make_async_copy(
                x_hbm.at[pl.ds(b * BLK, BLK), c], xbufs[buf], sems[buf])
            cp2 = pltpu.make_async_copy(
                seg_hbm.at[pl.ds(b * (BLK // LANES), BLK // LANES)],
                sbufs[buf], sems[buf])
            return cp1, cp2

        def active(k):
            return (g + NG * k) < nblk

        def process(buf, ngroups):
            xbuf = xbufs[buf]
            sbuf = sbufs[buf]

            def grp(gi, carry):
                seg16 = sbuf[gi, :]
                plsc.addupdate_scatter(cnt, [seg16], ones, mask=cmask)
                r0 = gi * LANES
                for j in range(LANES):
                    base = seg16[j] * CW
                    idx0 = iota + base
                    v0 = xbuf[r0 + j, pl.ds(0, LANES)]
                    plsc.addupdate_scatter(acc, [idx0], v0)
                    v1 = xbuf[r0 + j, pl.ds(LANES, LANES)]
                    plsc.addupdate_scatter(acc, [idx0 + LANES], v1)
                return carry
            lax.fori_loop(0, ngroups, grp, 0)

        def start_stage(k, buf):
            def go():
                cps = mk(k, buf)
                cps[0].start()
                cps[1].start()
            pl.when(active(k))(go)

        def finish_stage(k, buf):
            def go():
                cps = mk(k, buf)
                cps[0].wait()
                cps[1].wait()
                process(buf, BLK // LANES)
            pl.when(active(k))(go)

        npairs = (nstage + 1) // 2
        start_stage(0, 0)

        def pair(p, carry):
            k0 = 2 * p
            start_stage(k0 + 1, 1)
            finish_stage(k0, 0)
            start_stage(k0 + 2, 0)
            finish_stage(k0 + 1, 1)
            return carry
        lax.fori_loop(0, npairs, pair, 0)

        if tail:
            tgroups = tail // LANES
            tcp1 = pltpu.make_async_copy(
                x_hbm.at[pl.ds(nblk * BLK, tail), c],
                xb0.at[pl.ds(0, tail), :], sem0)
            tcp2 = pltpu.make_async_copy(
                seg_hbm.at[pl.ds(nblk * (BLK // LANES), tgroups)],
                sb0.at[pl.ds(0, tgroups), :], sem0)

            def tail_start():
                tcp1.start()
                tcp2.start()

            def tail_finish():
                tcp1.wait()
                tcp2.wait()
                process(0, tgroups)

            pl.when(g == 0)(tail_start)
            pl.when(g == 0)(tail_finish)

        pltpu.sync_copy(acc, sums_hbm.at[g, c])

        def flush_cnt():
            pltpu.sync_copy(cnt, cnts_hbm.at[g])
        pl.when(c == 0)(flush_cnt)

    return seg_sum(x3, seg2)


def _combine_mlp_kernel(sums_ref, cnts_ref, w1_ref, b1_ref, w2_ref, b2_ref,
                        out_ref):
    s = jnp.sum(sums_ref[...], axis=0)
    sums = jnp.concatenate([s[i] for i in range(NCHUNK)], axis=1)
    cnt = jnp.sum(cnts_ref[...], axis=0)[:, None]
    mean = sums / jnp.maximum(cnt, 1.0)
    h = _selu(jax.lax.dot_general(
        mean, w1_ref[...], (((1,), (0,)), ((), ())),
        preferred_element_type=jnp.float32,
        precision=jax.lax.Precision.HIGHEST) + b1_ref[...])
    out_ref[...] = jax.lax.dot_general(
        h, w2_ref[...], (((1,), (0,)), ((), ())),
        preferred_element_type=jnp.float32,
        precision=jax.lax.Precision.HIGHEST) + b2_ref[...]


def kernel(node_invariant_features, batch, W_pe, b_pe, W1, b1, W2, b2):
    x = node_invariant_features
    n, d = x.shape
    assert d == NCHUNK * CW and n % LANES == 0
    x3 = x.reshape(n, NCHUNK, CW)
    seg2 = batch.astype(jnp.int32).reshape(n // LANES, LANES)
    sums, cnts = _sc_seg_sum(x3, seg2, n=n)
    sums4 = sums.reshape(NG, NCHUNK, NUM_SEGMENTS, CW)

    b1r = b1.reshape(1, -1)
    b2r = b2.reshape(1, -1)
    out = pl.pallas_call(
        _combine_mlp_kernel,
        out_shape=jax.ShapeDtypeStruct((NUM_SEGMENTS, 1), jnp.float32),
    )(sums4, cnts, W1, b1r, W2, b2r)
    return out

# --- scband reference (transcript-rebuilt; emitter-appended) ---
"""Pipeline reference for scband-material-autoencoder-torch-30760555774477 (READ-ONLY COPY).

The authoritative reference and input builder live on the scoring server;
editing this copy changes nothing except your own understanding.
"""

import jax, jax.numpy as jnp
import numpy as np

NUM_GRAPHS = 1024

def setup_inputs(seed: int = 0) -> dict:
    key = jax.random.key(seed)
    k1, k2, k3, k4, k5, k6, k7, k8 = jax.random.split(key, 8)
    N, D = 100000, 128
    x = jax.random.normal(k1, (N, D), dtype=jnp.float32)
    batch = jnp.sort(jax.random.randint(k2, (N,), 0, NUM_GRAPHS, dtype=jnp.int64))
    # primary_encoder (PrimaryCapsuleTorchMLP) modeled as Linear(D -> n_caps*n_features=128) + SELU
    W_pe = jax.random.normal(k3, (D, 8 * 16), dtype=jnp.float32) * (1.0 / np.sqrt(D))
    b_pe = jnp.zeros((8 * 16,), dtype=jnp.float32)
    # final_mlp: Linear(128 -> 64), SELU, Linear(64 -> 1)
    W1 = jax.random.normal(k4, (D, 64), dtype=jnp.float32) * (1.0 / np.sqrt(D))
    b1 = jnp.zeros((64,), dtype=jnp.float32)
    W2 = jax.random.normal(k5, (64, 1), dtype=jnp.float32) * (1.0 / np.sqrt(64))
    b2 = jnp.zeros((1,), dtype=jnp.float32)
    return {"node_invariant_features": x, "batch": batch, "W_pe": W_pe, "b_pe": b_pe, "W1": W1, "b1": b1, "W2": W2, "b2": b2}

def reference(node_invariant_features, batch, W_pe, b_pe, W1, b1, W2, b2):
    x = node_invariant_features
    # primary_encoder forward (output discarded, as in the original module)
    _ = jax.nn.selu(x @ W_pe + b_pe)
    # scatter mean over graph segments (torch_scatter reduce='mean')
    sums = jax.ops.segment_sum(x, batch, num_segments=NUM_GRAPHS)
    counts = jax.ops.segment_sum(jnp.ones((x.shape[0], 1), dtype=x.dtype), batch, num_segments=NUM_GRAPHS)
    graph_level_features = sums / jnp.clip(counts, 1.0, None)
    # final MLP
    h = jax.nn.selu(graph_level_features @ W1 + b1)
    prediction = h @ W2 + b2
    return prediction

if __name__ == "__main__":
    import jax
    _d = setup_inputs()
    print(jax.jit(kernel)(*tuple(_d.values())))

</pallas_src>

<mosaic_0001>
#map = affine_map<(d0, d1) -> (0, 0, 0)>
#map1 = affine_map<(d0, d1) -> (0, 0)>
module attributes {stable_mosaic.version = 14 : i64} {
  func.func @seg_sum(%arg0: i32, %arg1: i32, %arg2: memref<100000x4x32xf32, #tpu.memory_space<hbm>>, %arg3: memref<6250x16xi32, #tpu.memory_space<hbm>>, %arg4: memref<8x4x32768xf32, #tpu.memory_space<hbm>>, %arg5: memref<8x1024xf32, #tpu.memory_space<hbm>>, %arg6: memref<256x32xf32, #tpu.memory_space<vmem>>, %arg7: memref<256x32xf32, #tpu.memory_space<vmem>>, %arg8: memref<16x16xi32, #tpu.memory_space<vmem>>, %arg9: memref<16x16xi32, #tpu.memory_space<vmem>>, %arg10: memref<32768xf32, #tpu.memory_space<vmem>>, %arg11: memref<1024xf32, #tpu.memory_space<vmem>>, %arg12: memref<!tpu.dma_semaphore, #tpu.memory_space<semaphore_mem>>, %arg13: memref<!tpu.dma_semaphore, #tpu.memory_space<semaphore_mem>>) attributes {dimension_semantics = [#tpu.dimension_semantics<core_parallel>, #tpu.dimension_semantics<subcore_parallel>], iteration_bounds = array<i64: 2, 16>, scalar_prefetch = 0 : i64, scratch_operands = 8 : i64, tpu.core_type = #tpu.core_type<sc_vector_subcore>, window_params = [{transform_indices = #map}, {transform_indices = #map1}, {transform_indices = #map}, {transform_indices = #map1}]} {
    %mul3A = arith.constant 2 : i32
    %mul3A_0 = arith.muli %arg1, %mul3A : i32
    %add3A = arith.addi %mul3A_0, %arg0 : i32
    %jit3A = arith.constant 4 : i32
    %div3A = arith.divsi %add3A, %jit3A : i32
    %sign3A = arith.constant 0 : i32
    %sign3A_1 = arith.cmpi sgt, %add3A, %sign3A : i32
    %sign3A_2 = arith.extui %sign3A_1 : i1 to i32
    %sign3A_3 = arith.constant 0 : i32
    %sign3A_4 = arith.cmpi slt, %add3A, %sign3A_3 : i32
    %sign3A_5 = arith.extui %sign3A_4 : i1 to i32
    %sign3A_6 = arith.subi %sign3A_2, %sign3A_5 : i32
    %sign3A_7 = arith.constant 0 : i32
    %sign3A_8 = arith.cmpi sgt, %jit3A, %sign3A_7 : i32
    %sign3A_9 = arith.extui %sign3A_8 : i1 to i32
    %sign3A_10 = arith.constant 0 : i32
    %sign3A_11 = arith.cmpi slt, %jit3A, %sign3A_10 : i32
    %sign3A_12 = arith.extui %sign3A_11 : i1 to i32
    %sign3A_13 = arith.subi %sign3A_9, %sign3A_12 : i32
    %ne3A = arith.cmpi ne, %sign3A_6, %sign3A_13 : i32
    %rem3A = arith.remsi %add3A, %jit3A : i32
    %ne3A_14 = arith.constant 0 : i32
    %ne3A_15 = arith.cmpi ne, %rem3A, %ne3A_14 : i32
    %and3A = arith.andi %ne3A, %ne3A_15 : i1
    %sub3A = arith.constant 1 : i32
    %sub3A_16 = arith.subi %div3A, %sub3A : i32
    %select_n3A = arith.select %and3A, %sub3A_16, %div3A : i32
    %jit3A_17 = arith.constant 4 : i32
    %eq3A = arith.constant 0 : i32
    %eq3A_18 = arith.cmpi eq, %jit3A_17, %eq3A : i32
    %jit3A_19 = arith.constant 1 : i32
    %select_n3A_20 = arith.select %eq3A_18, %jit3A_19, %jit3A_17 : i32
    %rem3A_21 = arith.remsi %add3A, %select_n3A_20 : i32
    %ne3A_22 = arith.constant 0 : i32
    %ne3A_23 = arith.cmpi ne, %rem3A_21, %ne3A_22 : i32
    %lt3A = arith.constant 0 : i32
    %lt3A_24 = arith.cmpi slt, %rem3A_21, %lt3A : i32
    %lt3A_25 = arith.constant 0 : i32
    %lt3A_26 = arith.cmpi slt, %select_n3A_20, %lt3A_25 : i32
    %ne3A_27 = arith.xori %lt3A_24, %lt3A_26 : i1
    %and3A_28 = arith.andi %ne3A_27, %ne3A_23 : i1
    %add3A_29 = arith.addi %rem3A_21, %select_n3A_20 : i32
    %select_n3A_30 = arith.select %and3A_28, %add3A_29, %rem3A_21 : i32
    %iota3A = tpu.iota {dimensions = array<i32: 0>} : vector<16xi32>
    %broadcast_in_dim3A = arith.constant 0.000000e+00 : f32
    %broadcast_in_dim3A_31 = vector.broadcast %broadcast_in_dim3A : f32 to vector<16xf32>
    %broadcast_in_dim3A_32 = arith.constant 1.000000e+00 : f32
    %broadcast_in_dim3A_33 = vector.broadcast %broadcast_in_dim3A_32 : f32 to vector<16xf32>
    %eq3A_34 = arith.constant 0 : i32
    %eq3A_35 = arith.cmpi eq, %select_n3A_30, %eq3A_34 : i32
    %broadcast_in_dim3A_36 = vector.broadcast %eq3A_35 : i1 to vector<16xi1>
    %scan3A = arith.constant 0 : i32
    %scan3A_37 = arith.constant 0 : i32
    %scan3A_38 = arith.constant 2048 : i32
    %scan3A_39 = arith.addi %scan3A_37, %scan3A_38 : i32
    %scan3A_40 = arith.constant 1 : i32
    scf.for %scan3A_74 = %scan3A_37 to %scan3A_39 step %scan3A_40  : i32 {
      %mul3A_75 = arith.constant 16 : i32
      %mul3A_76 = arith.muli %scan3A_74, %mul3A_75 : i32
      %swap3A = arith.index_cast %mul3A_76 : i32 to index
      %swap3A_77 = tpu.vector_load %arg10[%swap3A] {strides = array<i32>} : memref<32768xf32, #tpu.memory_space<vmem>>, vector<16xf32>,
      tpu.vector_store %arg10[%swap3A], %broadcast_in_dim3A_31 {strides = array<i32>} : memref<32768xf32, #tpu.memory_space<vmem>>, vector<16xf32>,
    }
    %scan3A_41 = arith.constant 2048 : i32
    %scan3A_42 = arith.constant 0 : i32
    %scan3A_43 = arith.constant 0 : i32
    %scan3A_44 = arith.constant 64 : i32
    %scan3A_45 = arith.addi %scan3A_43, %scan3A_44 : i32
    %scan3A_46 = arith.constant 1 : i32
    scf.for %scan3A_74 = %scan3A_43 to %scan3A_45 step %scan3A_46  : i32 {
      %mul3A_75 = arith.constant 16 : i32
      %mul3A_76 = arith.muli %scan3A_74, %mul3A_75 : i32
      %swap3A = arith.index_cast %mul3A_76 : i32 to index
      %swap3A_77 = tpu.vector_load %arg11[%swap3A] {strides = array<i32>} : memref<1024xf32, #tpu.memory_space<vmem>>, vector<16xf32>,
      tpu.vector_store %arg11[%swap3A], %broadcast_in_dim3A_31 {strides = array<i32>} : memref<1024xf32, #tpu.memory_space<vmem>>, vector<16xf32>,
    }
    %scan3A_47 = arith.constant 64 : i32
    %add3A_48 = arith.constant 0 : i32
    %add3A_49 = arith.addi %select_n3A, %add3A_48 : i32
    %lt3A_50 = arith.constant 390 : i32
    %lt3A_51 = arith.cmpi slt, %add3A_49, %lt3A_50 : i32
    %convert_element_type3A = arith.extui %lt3A_51 : i1 to i32
    %cond3A = arith.constant 0 : i32
    %cond3A_52 = arith.cmpi ne, %convert_element_type3A, %cond3A : i32
    scf.if %cond3A_52 {
      %add3A_74 = arith.constant 0 : i32
      %add3A_75 = arith.addi %select_n3A, %add3A_74 : i32
      %mul3A_76 = arith.constant 256 : i32
      %mul3A_77 = arith.muli %add3A_75, %mul3A_76 : i32
      %mul3A_78 = arith.constant 16 : i32
      %mul3A_79 = arith.muli %add3A_75, %mul3A_78 : i32
      %dma_start3A = arith.constant 0 : i32
      %dma_start3A_80 = tpu.memref_slice %arg2[%mul3A_77, %select_n3A_30, %dma_start3A] : memref<100000x4x32xf32, #tpu.memory_space<hbm>> -> memref<256x1x32xf32, #tpu.memory_space<hbm>>
      %dma_start3A_81 = tpu.memref_squeeze %dma_start3A_80 : memref<256x1x32xf32, #tpu.memory_space<hbm>> -> memref<256x32xf32, #tpu.memory_space<hbm>>
      %dma_start3A_82 = arith.constant 0 : i32
      %dma_start3A_83 = tpu.memref_slice %arg2[%mul3A_77, %select_n3A_30, %dma_start3A_82] : memref<100000x4x32xf32, #tpu.memory_space<hbm>> -> memref<256x1x32xf32, #tpu.memory_space<hbm>>
      %dma_start3A_84 = tpu.memref_squeeze %dma_start3A_83 : memref<256x1x32xf32, #tpu.memory_space<hbm>> -> memref<256x32xf32, #tpu.memory_space<hbm>>
      tpu.enqueue_dma source(%dma_start3A_84 : memref<256x32xf32, #tpu.memory_space<hbm>>) target(%arg6 : memref<256x32xf32, #tpu.memory_space<vmem>>) target_semaphore(%arg12 : memref<!tpu.dma_semaphore, #tpu.memory_space<semaphore_mem>>)
      %dma_start3A_85 = arith.constant 0 : i32
      %dma_start3A_86 = tpu.memref_slice %arg3[%mul3A_79, %dma_start3A_85] : memref<6250x16xi32, #tpu.memory_space<hbm>> -> memref<16x16xi32, #tpu.memory_space<hbm>>
      %dma_start3A_87 = arith.constant 0 : i32
      %dma_start3A_88 = tpu.memref_slice %arg3[%mul3A_79, %dma_start3A_87] : memref<6250x16xi32, #tpu.memory_space<hbm>> -> memref<16x16xi32, #tpu.memory_space<hbm>>
      tpu.enqueue_dma source(%dma_start3A_88 : memref<16x16xi32, #tpu.memory_space<hbm>>) target(%arg8 : memref<16x16xi32, #tpu.memory_space<vmem>>) target_semaphore(%arg12 : memref<!tpu.dma_semaphore, #tpu.memory_space<semaphore_mem>>)
    } else {
    }
    %scan3A_53 = arith.constant 0 : i32
    %scan3A_54 = arith.constant 0 : i32
    %scan3A_55 = arith.constant 25 : i32
    %scan3A_56 = arith.addi %scan3A_54, %scan3A_55 : i32
    %scan3A_57 = arith.constant 1 : i32
    scf.for %scan3A_74 = %scan3A_54 to %scan3A_56 step %scan3A_57  : i32 {
      %mul3A_75 = arith.constant 2 : i32
      %mul3A_76 = arith.muli %mul3A_75, %scan3A_74 : i32
      %add3A_77 = arith.constant 1 : i32
      %add3A_78 = arith.addi %mul3A_76, %add3A_77 : i32
      %mul3A_79 = arith.constant 8 : i32
      %mul3A_80 = arith.muli %mul3A_79, %add3A_78 : i32
      %add3A_81 = arith.addi %select_n3A, %mul3A_80 : i32
      %lt3A_82 = arith.constant 390 : i32
      %lt3A_83 = arith.cmpi slt, %add3A_81, %lt3A_82 : i32
      %convert_element_type3A_84 = arith.extui %lt3A_83 : i1 to i32
      %cond3A_85 = arith.constant 0 : i32
      %cond3A_86 = arith.cmpi ne, %convert_element_type3A_84, %cond3A_85 : i32
      scf.if %cond3A_86 {
        %mul3A_115 = arith.constant 8 : i32
        %mul3A_116 = arith.muli %mul3A_115, %add3A_78 : i32
        %add3A_117 = arith.addi %select_n3A, %mul3A_116 : i32
        %mul3A_118 = arith.constant 256 : i32
        %mul3A_119 = arith.muli %add3A_117, %mul3A_118 : i32
        %mul3A_120 = arith.constant 16 : i32
        %mul3A_121 = arith.muli %add3A_117, %mul3A_120 : i32
        %dma_start3A = arith.constant 0 : i32
        %dma_start3A_122 = tpu.memref_slice %arg2[%mul3A_119, %select_n3A_30, %dma_start3A] : memref<100000x4x32xf32, #tpu.memory_space<hbm>> -> memref<256x1x32xf32, #tpu.memory_space<hbm>>
        %dma_start3A_123 = tpu.memref_squeeze %dma_start3A_122 : memref<256x1x32xf32, #tpu.memory_space<hbm>> -> memref<256x32xf32, #tpu.memory_space<hbm>>
        %dma_start3A_124 = arith.constant 0 : i32
        %dma_start3A_125 = tpu.memref_slice %arg2[%mul3A_119, %select_n3A_30, %dma_start3A_124] : memref<100000x4x32xf32, #tpu.memory_space<hbm>> -> memref<256x1x32xf32, #tpu.memory_space<hbm>>
        %dma_start3A_126 = tpu.memref_squeeze %dma_start3A_125 : memref<256x1x32xf32, #tpu.memory_space<hbm>> -> memref<256x32xf32, #tpu.memory_space<hbm>>
        tpu.enqueue_dma source(%dma_start3A_126 : memref<256x32xf32, #tpu.memory_space<hbm>>) target(%arg7 : memref<256x32xf32, #tpu.memory_space<vmem>>) target_semaphore(%arg13 : memref<!tpu.dma_semaphore, #tpu.memory_space<semaphore_mem>>)
        %dma_start3A_127 = arith.constant 0 : i32
        %dma_start3A_128 = tpu.memref_slice %arg3[%mul3A_121, %dma_start3A_127] : memref<6250x16xi32, #tpu.memory_space<hbm>> -> memref<16x16xi32, #tpu.memory_space<hbm>>
        %dma_start3A_129 = arith.constant 0 : i32
        %dma_start3A_130 = tpu.memref_slice %arg3[%mul3A_121, %dma_start3A_129] : memref<6250x16xi32, #tpu.memory_space<hbm>> -> memref<16x16xi32, #tpu.memory_space<hbm>>
        tpu.enqueue_dma source(%dma_start3A_130 : memref<16x16xi32, #tpu.memory_space<hbm>>) target(%arg9 : memref<16x16xi32, #tpu.memory_space<vmem>>) target_semaphore(%arg13 : memref<!tpu.dma_semaphore, #tpu.memory_space<semaphore_mem>>)
      } else {
      }
      %mul3A_87 = arith.constant 8 : i32
      %mul3A_88 = arith.muli %mul3A_87, %mul3A_76 : i32
      %add3A_89 = arith.addi %select_n3A, %mul3A_88 : i32
      %lt3A_90 = arith.constant 390 : i32
      %lt3A_91 = arith.cmpi slt, %add3A_89, %lt3A_90 : i32
      %convert_element_type3A_92 = arith.extui %lt3A_91 : i1 to i32
      %cond3A_93 = arith.constant 0 : i32
      %cond3A_94 = arith.cmpi ne, %convert_element_type3A_92, %cond3A_93 : i32
      scf.if %cond3A_94 {
        %mul3A_115 = arith.constant 8 : i32
        %mul3A_116 = arith.muli %mul3A_115, %mul3A_76 : i32
        %add3A_117 = arith.addi %select_n3A, %mul3A_116 : i32
        %mul3A_118 = arith.constant 256 : i32
        %mul3A_119 = arith.muli %add3A_117, %mul3A_118 : i32
        %mul3A_120 = arith.constant 16 : i32
        %mul3A_121 = arith.muli %add3A_117, %mul3A_120 : i32
        %dma_wait3A = arith.constant 0 : i32
        %dma_wait3A_122 = tpu.memref_slice %arg2[%mul3A_119, %select_n3A_30, %dma_wait3A] : memref<100000x4x32xf32, #tpu.memory_space<hbm>> -> memref<256x1x32xf32, #tpu.memory_space<hbm>>
        %dma_wait3A_123 = tpu.memref_squeeze %dma_wait3A_122 : memref<256x1x32xf32, #tpu.memory_space<hbm>> -> memref<256x32xf32, #tpu.memory_space<hbm>>
        %dma_wait3A_124 = arith.constant 0 : i32
        %dma_wait3A_125 = tpu.memref_slice %arg2[%mul3A_119, %select_n3A_30, %dma_wait3A_124] : memref<100000x4x32xf32, #tpu.memory_space<hbm>> -> memref<256x1x32xf32, #tpu.memory_space<hbm>>
        %dma_wait3A_126 = tpu.memref_squeeze %dma_wait3A_125 : memref<256x1x32xf32, #tpu.memory_space<hbm>> -> memref<256x32xf32, #tpu.memory_space<hbm>>
        tpu.wait_dma2 semaphore(%arg12 : memref<!tpu.dma_semaphore, #tpu.memory_space<semaphore_mem>>) src(%dma_wait3A_126 : memref<256x32xf32, #tpu.memory_space<hbm>>) dst(%arg6 : memref<256x32xf32, #tpu.memory_space<vmem>>)
        %dma_wait3A_127 = arith.constant 0 : i32
        %dma_wait3A_128 = tpu.memref_slice %arg3[%mul3A_121, %dma_wait3A_127] : memref<6250x16xi32, #tpu.memory_space<hbm>> -> memref<16x16xi32, #tpu.memory_space<hbm>>
        %dma_wait3A_129 = arith.constant 0 : i32
        %dma_wait3A_130 = tpu.memref_slice %arg3[%mul3A_121, %dma_wait3A_129] : memref<6250x16xi32, #tpu.memory_space<hbm>> -> memref<16x16xi32, #tpu.memory_space<hbm>>
        tpu.wait_dma2 semaphore(%arg12 : memref<!tpu.dma_semaphore, #tpu.memory_space<semaphore_mem>>) src(%dma_wait3A_130 : memref<16x16xi32, #tpu.memory_space<hbm>>) dst(%arg8 : memref<16x16xi32, #tpu.memory_space<vmem>>)
        %scan3A_131 = arith.constant 0 : i32
        %scan3A_132 = arith.constant 0 : i32
        %scan3A_133 = arith.constant 16 : i32
        %scan3A_134 = arith.addi %scan3A_132, %scan3A_133 : i32
        %scan3A_135 = arith.constant 1 : i32
        scf.for %scan3A_137 = %scan3A_132 to %scan3A_134 step %scan3A_135  : i32 {
          %get3A = arith.index_cast %scan3A_137 : i32 to index
          %get3A_138 = arith.constant 0 : index
          %get3A_139 = tpu.vector_load %arg8[%get3A, %get3A_138] {strides = array<i32>} : memref<16x16xi32, #tpu.memory_space<vmem>>, vector<16xi32>,
          tpu.vector_store_idx %arg11[%get3A_139], %broadcast_in_dim3A_33 masked %broadcast_in_dim3A_36 {add = true} : memref<1024xf32, #tpu.memory_space<vmem>>[vector<16xi32>], vector<16xf32>, vector<16xi1>
          %mul3A_140 = arith.constant 16 : i32
          %mul3A_141 = arith.muli %scan3A_137, %mul3A_140 : i32
          %slice3A = vector.extract_strided_slice %get3A_139 {offsets = [0], sizes = [1], strides = [1]} : vector<16xi32> to vector<1xi32>
          %squeeze3A = vector.extract %slice3A[0] : i32 from vector<1xi32>
          %mul3A_142 = arith.constant 32 : i32
          %mul3A_143 = arith.muli %squeeze3A, %mul3A_142 : i32
          %add3A_144 = vector.broadcast %mul3A_143 : i32 to vector<16xi32>
          %add3A_145 = arith.addi %iota3A, %add3A_144 : vector<16xi32>
          %add3A_146 = arith.constant 0 : i32
          %add3A_147 = arith.addi %mul3A_141, %add3A_146 : i32
          %get3A_148 = arith.index_cast %add3A_147 : i32 to index
          %get3A_149 = arith.constant 0 : index
          %get3A_150 = tpu.vector_load %arg6[%get3A_148, %get3A_149] {strides = array<i32>} : memref<256x32xf32, #tpu.memory_space<vmem>>, vector<16xf32>,
          tpu.vector_store_idx %arg10[%add3A_145], %get3A_150 {add = true} : memref<32768xf32, #tpu.memory_space<vmem>>[vector<16xi32>], vector<16xf32>,
          %add3A_151 = arith.constant 0 : i32
          %add3A_152 = arith.addi %mul3A_141, %add3A_151 : i32
          %get3A_153 = arith.index_cast %add3A_152 : i32 to index
          %get3A_154 = arith.constant 16 : index
          %get3A_155 = tpu.vector_load %arg6[%get3A_153, %get3A_154] {strides = array<i32>} : memref<256x32xf32, #tpu.memory_space<vmem>>, vector<16xf32>,
          %add3A_156 = arith.constant 16 : i32
          %add3A_157 = vector.broadcast %add3A_156 : i32 to vector<16xi32>
          %add3A_158 = arith.addi %add3A_145, %add3A_157 : vector<16xi32>
          tpu.vector_store_idx %arg10[%add3A_158], %get3A_155 {add = true} : memref<32768xf32, #tpu.memory_space<vmem>>[vector<16xi32>], vector<16xf32>,
          %slice3A_159 = vector.extract_strided_slice %get3A_139 {offsets = [1], sizes = [1], strides = [1]} : vector<16xi32> to vector<1xi32>
          %squeeze3A_160 = vector.extract %slice3A_159[0] : i32 from vector<1xi32>
          %mul3A_161 = arith.constant 32 : i32
          %mul3A_162 = arith.muli %squeeze3A_160, %mul3A_161 : i32
          %add3A_163 = vector.broadcast %mul3A_162 : i32 to vector<16xi32>
          %add3A_164 = arith.addi %iota3A, %add3A_163 : vector<16xi32>
          %add3A_165 = arith.constant 1 : i32
          %add3A_166 = arith.addi %mul3A_141, %add3A_165 : i32
          %get3A_167 = arith.index_cast %add3A_166 : i32 to index
          %get3A_168 = arith.constant 0 : index
          %get3A_169 = tpu.vector_load %arg6[%get3A_167, %get3A_168] {strides = array<i32>} : memref<256x32xf32, #tpu.memory_space<vmem>>, vector<16xf32>,
          tpu.vector_store_idx %arg10[%add3A_164], %get3A_169 {add = true} : memref<32768xf32, #tpu.memory_space<vmem>>[vector<16xi32>], vector<16xf32>,
          %add3A_170 = arith.constant 1 : i32
          %add3A_171 = arith.addi %mul3A_141, %add3A_170 : i32
          %get3A_172 = arith.index_cast %add3A_171 : i32 to index
          %get3A_173 = arith.constant 16 : index
          %get3A_174 = tpu.vector_load %arg6[%get3A_172, %get3A_173] {strides = array<i32>} : memref<256x32xf32, #tpu.memory_space<vmem>>, vector<16xf32>,
          %add3A_175 = arith.constant 16 : i32
          %add3A_176 = vector.broadcast %add3A_175 : i32 to vector<16xi32>
          %add3A_177 = arith.addi %add3A_164, %add3A_176 : vector<16xi32>
          tpu.vector_store_idx %arg10[%add3A_177], %get3A_174 {add = true} : memref<32768xf32, #tpu.memory_space<vmem>>[vector<16xi32>], vector<16xf32>,
          %slice3A_178 = vector.extract_strided_slice %get3A_139 {offsets = [2], sizes = [1], strides = [1]} : vector<16xi32> to vector<1xi32>
          %squeeze3A_179 = vector.extract %slice3A_178[0] : i32 from vector<1xi32>
          %mul3A_180 = arith.constant 32 : i32
          %mul3A_181 = arith.muli %squeeze3A_179, %mul3A_180 : i32
          %add3A_182 = vector.broadcast %mul3A_181 : i32 to vector<16xi32>
          %add3A_183 = arith.addi %iota3A, %add3A_182 : vector<16xi32>
          %add3A_184 = arith.constant 2 : i32
          %add3A_185 = arith.addi %mul3A_141, %add3A_184 : i32
          %get3A_186 = arith.index_cast %add3A_185 : i32 to index
          %get3A_187 = arith.constant 0 : index
          %get3A_188 = tpu.vector_load %arg6[%get3A_186, %get3A_187] {strides = array<i32>} : memref<256x32xf32, #tpu.memory_space<vmem>>, vector<16xf32>,
          tpu.vector_store_idx %arg10[%add3A_183], %get3A_188 {add = true} : memref<32768xf32, #tpu.memory_space<vmem>>[vector<16xi32>], vector<16xf32>,
          %add3A_189 = arith.constant 2 : i32
          %add3A_190 = arith.addi %mul3A_141, %add3A_189 : i32
          %get3A_191 = arith.index_cast %add3A_190 : i32 to index
          %get3A_192 = arith.constant 16 : index
          %get3A_193 = tpu.vector_load %arg6[%get3A_191, %get3A_192] {strides = array<i32>} : memref<256x32xf32, #tpu.memory_space<vmem>>, vector<16xf32>,
          %add3A_194 = arith.constant 16 : i32
          %add3A_195 = vector.broadcast %add3A_194 : i32 to vector<16xi32>
          %add3A_196 = arith.addi %add3A_183, %add3A_195 : vector<16xi32>
          tpu.vector_store_idx %arg10[%add3A_196], %get3A_193 {add = true} : memref<32768xf32, #tpu.memory_space<vmem>>[vector<16xi32>], vector<16xf32>,
          %slice3A_197 = vector.extract_strided_slice %get3A_139 {offsets = [3], sizes = [1], strides = [1]} : vector<16xi32> to vector<1xi32>
          %squeeze3A_198 = vector.extract %slice3A_197[0] : i32 from vector<1xi32>
          %mul3A_199 = arith.constant 32 : i32
          %mul3A_200 = arith.muli %squeeze3A_198, %mul3A_199 : i32
          %add3A_201 = vector.broadcast %mul3A_200 : i32 to vector<16xi32>
          %add3A_202 = arith.addi %iota3A, %add3A_201 : vector<16xi32>
          %add3A_203 = arith.constant 3 : i32
          %add3A_204 = arith.addi %mul3A_141, %add3A_203 : i32
          %get3A_205 = arith.index_cast %add3A_204 : i32 to index
          %get3A_206 = arith.constant 0 : index
          %get3A_207 = tpu.vector_load %arg6[%get3A_205, %get3A_206] {strides = array<i32>} : memref<256x32xf32, #tpu.memory_space<vmem>>, vector<16xf32>,
          tpu.vector_store_idx %arg10[%add3A_202], %get3A_207 {add = true} : memref<32768xf32, #tpu.memory_space<vmem>>[vector<16xi32>], vector<16xf32>,
          %add3A_208 = arith.constant 3 : i32
          %add3A_209 = arith.addi %mul3A_141, %add3A_208 : i32
          %get3A_210 = arith.index_cast %add3A_209 : i32 to index
          %get3A_211 = arith.constant 16 : index
          %get3A_212 = tpu.vector_load %arg6[%get3A_210, %get3A_211] {strides = array<i32>} : memref<256x32xf32, #tpu.memory_space<vmem>>, vector<16xf32>,
          %add3A_213 = arith.constant 16 : i32
          %add3A_214 = vector.broadcast %add3A_213 : i32 to vector<16xi32>
          %add3A_215 = arith.addi %add3A_202, %add3A_214 : vector<16xi32>
          tpu.vector_store_idx %arg10[%add3A_215], %get3A_212 {add = true} : memref<32768xf32, #tpu.memory_space<vmem>>[vector<16xi32>], vector<16xf32>,
          %slice3A_216 = vector.extract_strided_slice %get3A_139 {offsets = [4], sizes = [1], strides = [1]} : vector<16xi32> to vector<1xi32>
          %squeeze3A_217 = vector.extract %slice3A_216[0] : i32 from vector<1xi32>
          %mul3A_218 = arith.constant 32 : i32
          %mul3A_219 = arith.muli %squeeze3A_217, %mul3A_218 : i32
          %add3A_220 = vector.broadcast %mul3A_219 : i32 to vector<16xi32>
          %add3A_221 = arith.addi %iota3A, %add3A_220 : vector<16xi32>
          %add3A_222 = arith.constant 4 : i32
          %add3A_223 = arith.addi %mul3A_141, %add3A_222 : i32
          %get3A_224 = arith.index_cast %add3A_223 : i32 to index
          %get3A_225 = arith.constant 0 : index
          %get3A_226 = tpu.vector_load %arg6[%get3A_224, %get3A_225] {strides = array<i32>} : memref<256x32xf32, #tpu.memory_space<vmem>>, vector<16xf32>,
          tpu.vector_store_idx %arg10[%add3A_221], %get3A_226 {add = true} : memref<32768xf32, #tpu.memory_space<vmem>>[vector<16xi32>], vector<16xf32>,
          %add3A_227 = arith.constant 4 : i32
          %add3A_228 = arith.addi %mul3A_141, %add3A_227 : i32
          %get3A_229 = arith.index_cast %add3A_228 : i32 to index
          %get3A_230 = arith.constant 16 : index
          %get3A_231 = tpu.vector_load %arg6[%get3A_229, %get3A_230] {strides = array<i32>} : memref<256x32xf32, #tpu.memory_space<vmem>>, vector<16xf32>,
          %add3A_232 = arith.constant 16 : i32
          %add3A_233 = vector.broadcast %add3A_232 : i32 to vector<16xi32>
          %add3A_234 = arith.addi %add3A_221, %add3A_233 : vector<16xi32>
          tpu.vector_store_idx %arg10[%add3A_234], %get3A_231 {add = true} : memref<32768xf32, #tpu.memory_space<vmem>>[vector<16xi32>], vector<16xf32>,
          %slice3A_235 = vector.extract_strided_slice %get3A_139 {offsets = [5], sizes = [1], strides = [1]} : vector<16xi32> to vector<1xi32>
          %squeeze3A_236 = vector.extract %slice3A_235[0] : i32 from vector<1xi32>
          %mul3A_237 = arith.constant 32 : i32
          %mul3A_238 = arith.muli %squeeze3A_236, %mul3A_237 : i32
          %add3A_239 = vector.broadcast %mul3A_238 : i32 to vector<16xi32>
          %add3A_240 = arith.addi %iota3A, %add3A_239 : vector<16xi32>
          %add3A_241 = arith.constant 5 : i32
          %add3A_242 = arith.addi %mul3A_141, %add3A_241 : i32
          %get3A_243 = arith.index_cast %add3A_242 : i32 to index
          %get3A_244 = arith.constant 0 : index
          %get3A_245 = tpu.vector_load %arg6[%get3A_243, %get3A_244] {strides = array<i32>} : memref<256x32xf32, #tpu.memory_space<vmem>>, vector<16xf32>,
          tpu.vector_store_idx %arg10[%add3A_240], %get3A_245 {add = true} : memref<32768xf32, #tpu.memory_space<vmem>>[vector<16xi32>], vector<16xf32>,
          %add3A_246 = arith.constant 5 : i32
          %add3A_247 = arith.addi %mul3A_141, %add3A_246 : i32
          %get3A_248 = arith.index_cast %add3A_247 : i32 to index
          %get3A_249 = arith.constant 16 : index
          %get3A_250 = tpu.vector_load %arg6[%get3A_248, %get3A_249] {strides = array<i32>} : memref<256x32xf32, #tpu.memory_space<vmem>>, vector<16xf32>,
          %add3A_251 = arith.constant 16 : i32
          %add3A_252 = vector.broadcast %add3A_251 : i32 to vector<16xi32>
          %add3A_253 = arith.addi %add3A_240, %add3A_252 : vector<16xi32>
          tpu.vector_store_idx %arg10[%add3A_253], %get3A_250 {add = true} : memref<32768xf32, #tpu.memory_space<vmem>>[vector<16xi32>], vector<16xf32>,
          %slice3A_254 = vector.extract_strided_slice %get3A_139 {offsets = [6], sizes = [1], strides = [1]} : vector<16xi32> to vector<1xi32>
          %squeeze3A_255 = vector.extract %slice3A_254[0] : i32 from vector<1xi32>
          %mul3A_256 = arith.constant 32 : i32
          %mul3A_257 = arith.muli %squeeze3A_255, %mul3A_256 : i32
          %add3A_258 = vector.broadcast %mul3A_257 : i32 to vector<16xi32>
          %add3A_259 = arith.addi %iota3A, %add3A_258 : vector<16xi32>
          %add3A_260 = arith.constant 6 : i32
          %add3A_261 = arith.addi %mul3A_141, %add3A_260 : i32
          %get3A_262 = arith.index_cast %add3A_261 : i32 to index
          %get3A_263 = arith.constant 0 : index
          %get3A_264 = tpu.vector_load %arg6[%get3A_262, %get3A_263] {strides = array<i32>} : memref<256x32xf32, #tpu.memory_space<vmem>>, vector<16xf32>,
          tpu.vector_store_idx %arg10[%add3A_259], %get3A_264 {add = true} : memref<32768xf32, #tpu.memory_space<vmem>>[vector<16xi32>], vector<16xf32>,
          %add3A_265 = arith.constant 6 : i32
          %add3A_266 = arith.addi %mul3A_141, %add3A_265 : i32
          %get3A_267 = arith.index_cast %add3A_266 : i32 to index
          %get3A_268 = arith.constant 16 : index
          %get3A_269 = tpu.vector_load %arg6[%get3A_267, %get3A_268] {strides = array<i32>} : memref<256x32xf32, #tpu.memory_space<vmem>>, vector<16xf32>,
          %add3A_270 = arith.constant 16 : i32
          %add3A_271 = vector.broadcast %add3A_270 : i32 to vector<16xi32>
          %add3A_272 = arith.addi %add3A_259, %add3A_271 : vector<16xi32>
          tpu.vector_store_idx %arg10[%add3A_272], %get3A_269 {add = true} : memref<32768xf32, #tpu.memory_space<vmem>>[vector<16xi32>], vector<16xf32>,
          %slice3A_273 = vector.extract_strided_slice %get3A_139 {offsets = [7], sizes = [1], strides = [1]} : vector<16xi32> to vector<1xi32>
          %squeeze3A_274 = vector.extract %slice3A_273[0] : i32 from vector<1xi32>
          %mul3A_275 = arith.constant 32 : i32
          %mul3A_276 = arith.muli %squeeze3A_274, %mul3A_275 : i32
          %add3A_277 = vector.broadcast %mul3A_276 : i32 to vector<16xi32>
          %add3A_278 = arith.addi %iota3A, %add3A_277 : vector<16xi32>
          %add3A_279 = arith.constant 7 : i32
          %add3A_280 = arith.addi %mul3A_141, %add3A_279 : i32
          %get3A_281 = arith.index_cast %add3A_280 : i32 to index
          %get3A_282 = arith.constant 0 : index
          %get3A_283 = tpu.vector_load %arg6[%get3A_281, %get3A_282] {strides = array<i32>} : memref<256x32xf32, #tpu.memory_space<vmem>>, vector<16xf32>,
          tpu.vector_store_idx %arg10[%add3A_278], %get3A_283 {add = true} : memref<32768xf32, #tpu.memory_space<vmem>>[vector<16xi32>], vector<16xf32>,
          %add3A_284 = arith.constant 7 : i32
          %add3A_285 = arith.addi %mul3A_141, %add3A_284 : i32
          %get3A_286 = arith.index_cast %add3A_285 : i32 to index
          %get3A_287 = arith.constant 16 : index
          %get3A_288 = tpu.vector_load %arg6[%get3A_286, %get3A_287] {strides = array<i32>} : memref<256x32xf32, #tpu.memory_space<vmem>>, vector<16xf32>,
          %add3A_289 = arith.constant 16 : i32
          %add3A_290 = vector.broadcast %add3A_289 : i32 to vector<16xi32>
          %add3A_291 = arith.addi %add3A_278, %add3A_290 : vector<16xi32>
          tpu.vector_store_idx %arg10[%add3A_291], %get3A_288 {add = true} : memref<32768xf32, #tpu.memory_space<vmem>>[vector<16xi32>], vector<16xf32>,
          %slice3A_292 = vector.extract_strided_slice %get3A_139 {offsets = [8], sizes = [1], strides = [1]} : vector<16xi32> to vector<1xi32>
          %squeeze3A_293 = vector.extract %slice3A_292[0] : i32 from vector<1xi32>
          %mul3A_294 = arith.constant 32 : i32
          %mul3A_295 = arith.muli %squeeze3A_293, %mul3A_294 : i32
          %add3A_296 = vector.broadcast %mul3A_295 : i32 to vector<16xi32>
          %add3A_297 = arith.addi %iota3A, %add3A_296 : vector<16xi32>
          %add3A_298 = arith.constant 8 : i32
          %add3A_299 = arith.addi %mul3A_141, %add3A_298 : i32
          %get3A_300 = arith.index_cast %add3A_299 : i32 to index
          %get3A_301 = arith.constant 0 : index
          %get3A_302 = tpu.vector_load %arg6[%get3A_300, %get3A_301] {strides = array<i32>} : memref<256x32xf32, #tpu.memory_space<vmem>>, vector<16xf32>,
          tpu.vector_store_idx %arg10[%add3A_297], %get3A_302 {add = true} : memref<32768xf32, #tpu.memory_space<vmem>>[vector<16xi32>], vector<16xf32>,
          %add3A_303 = arith.constant 8 : i32
          %add3A_304 = arith.addi %mul3A_141, %add3A_303 : i32
          %get3A_305 = arith.index_cast %add3A_304 : i32 to index
          %get3A_306 = arith.constant 16 : index
          %get3A_307 = tpu.vector_load %arg6[%get3A_305, %get3A_306] {strides = array<i32>} : memref<256x32xf32, #tpu.memory_space<vmem>>, vector<16xf32>,
          %add3A_308 = arith.constant 16 : i32
          %add3A_309 = vector.broadcast %add3A_308 : i32 to vector<16xi32>
          %add3A_310 = arith.addi %add3A_297, %add3A_309 : vector<16xi32>
          tpu.vector_store_idx %arg10[%add3A_310], %get3A_307 {add = true} : memref<32768xf32, #tpu.memory_space<vmem>>[vector<16xi32>], vector<16xf32>,
          %slice3A_311 = vector.extract_strided_slice %get3A_139 {offsets = [9], sizes = [1], strides = [1]} : vector<16xi32> to vector<1xi32>
          %squeeze3A_312 = vector.extract %slice3A_311[0] : i32 from vector<1xi32>
          %mul3A_313 = arith.constant 32 : i32
          %mul3A_314 = arith.muli %squeeze3A_312, %mul3A_313 : i32
          %add3A_315 = vector.broadcast %mul3A_314 : i32 to vector<16xi32>
          %add3A_316 = arith.addi %iota3A, %add3A_315 : vector<16xi32>
          %add3A_317 = arith.constant 9 : i32
          %add3A_318 = arith.addi %mul3A_141, %add3A_317 : i32
          %get3A_319 = arith.index_cast %add3A_318 : i32 to index
          %get3A_320 = arith.constant 0 : index
          %get3A_321 = tpu.vector_load %arg6[%get3A_319, %get3A_320] {strides = array<i32>} : memref<256x32xf32, #tpu.memory_space<vmem>>, vector<16xf32>,
          tpu.vector_store_idx %arg10[%add3A_316], %get3A_321 {add = true} : memref<32768xf32, #tpu.memory_space<vmem>>[vector<16xi32>], vector<16xf32>,
          %add3A_322 = arith.constant 9 : i32
          %add3A_323 = arith.addi %mul3A_141, %add3A_322 : i32
          %get3A_324 = arith.index_cast %add3A_323 : i32 to index
          %get3A_325 = arith.constant 16 : index
          %get3A_326 = tpu.vector_load %arg6[%get3A_324, %get3A_325] {strides = array<i32>} : memref<256x32xf32, #tpu.memory_space<vmem>>, vector<16xf32>,
          %add3A_327 = arith.constant 16 : i32
          %add3A_328 = vector.broadcast %add3A_327 : i32 to vector<16xi32>
          %add3A_329 = arith.addi %add3A_316, %add3A_328 : vector<16xi32>
          tpu.vector_store_idx %arg10[%add3A_329], %get3A_326 {add = true} : memref<32768xf32, #tpu.memory_space<vmem>>[vector<16xi32>], vector<16xf32>,
          %slice3A_330 = vector.extract_strided_slice %get3A_139 {offsets = [10], sizes = [1], strides = [1]} : vector<16xi32> to vector<1xi32>
          %squeeze3A_331 = vector.extract %slice3A_330[0] : i32 from vector<1xi32>
          %mul3A_332 = arith.constant 32 : i32
          %mul3A_333 = arith.muli %squeeze3A_331, %mul3A_332 : i32
          %add3A_334 = vector.broadcast %mul3A_333 : i32 to vector<16xi32>
          %add3A_335 = arith.addi %iota3A, %add3A_334 : vector<16xi32>
          %add3A_336 = arith.constant 10 : i32
          %add3A_337 = arith.addi %mul3A_141, %add3A_336 : i32
          %get3A_338 = arith.index_cast %add3A_337 : i32 to index
          %get3A_339 = arith.constant 0 : index
          %get3A_340 = tpu.vector_load %arg6[%get3A_338, %get3A_339] {strides = array<i32>} : memref<256x32xf32, #tpu.memory_space<vmem>>, vector<16xf32>,
          tpu.vector_store_idx %arg10[%add3A_335], %get3A_340 {add = true} : memref<32768xf32, #tpu.memory_space<vmem>>[vector<16xi32>], vector<16xf32>,
          %add3A_341 = arith.constant 10 : i32
          %add3A_342 = arith.addi %mul3A_141, %add3A_341 : i32
          %get3A_343 = arith.index_cast %add3A_342 : i32 to index
          %get3A_344 = arith.constant 16 : index
          %get3A_345 = tpu.vector_load %arg6[%get3A_343, %get3A_344] {strides = array<i32>} : memref<256x32xf32, #tpu.memory_space<vmem>>, vector<16xf32>,
          %add3A_346 = arith.constant 16 : i32
          %add3A_347 = vector.broadcast %add3A_346 : i32 to vector<16xi32>
          %add3A_348 = arith.addi %add3A_335, %add3A_347 : vector<16xi32>
          tpu.vector_store_idx %arg10[%add3A_348], %get3A_345 {add = true} : memref<32768xf32, #tpu.memory_space<vmem>>[vector<16xi32>], vector<16xf32>,
          %slice3A_349 = vector.extract_strided_slice %get3A_139 {offsets = [11], sizes = [1], strides = [1]} : vector<16xi32> to vector<1xi32>
          %squeeze3A_350 = vector.extract %slice3A_349[0] : i32 from vector<1xi32>
          %mul3A_351 = arith.constant 32 : i32
          %mul3A_352 = arith.muli %squeeze3A_350, %mul3A_351 : i32
          %add3A_353 = vector.broadcast %mul3A_352 : i32 to vector<16xi32>
          %add3A_354 = arith.addi %iota3A, %add3A_353 : vector<16xi32>
          %add3A_355 = arith.constant 11 : i32
          %add3A_356 = arith.addi %mul3A_141, %add3A_355 : i32
          %get3A_357 = arith.index_cast %add3A_356 : i32 to index
          %get3A_358 = arith.constant 0 : index
          %get3A_359 = tpu.vector_load %arg6[%get3A_357, %get3A_358] {strides = array<i32>} : memref<256x32xf32, #tpu.memory_space<vmem>>, vector<16xf32>,
          tpu.vector_store_idx %arg10[%add3A_354], %get3A_359 {add = true} : memref<32768xf32, #tpu.memory_space<vmem>>[vector<16xi32>], vector<16xf32>,
          %add3A_360 = arith.constant 11 : i32
          %add3A_361 = arith.addi %mul3A_141, %add3A_360 : i32
          %get3A_362 = arith.index_cast %add3A_361 : i32 to index
          %get3A_363 = arith.constant 16 : index
          %get3A_364 = tpu.vector_load %arg6[%get3A_362, %get3A_363] {strides = array<i32>} : memref<256x32xf32, #tpu.memory_space<vmem>>, vector<16xf32>,
          %add3A_365 = arith.constant 16 : i32
          %add3A_366 = vector.broadcast %add3A_365 : i32 to vector<16xi32>
          %add3A_367 = arith.addi %add3A_354, %add3A_366 : vector<16xi32>
          tpu.vector_store_idx %arg10[%add3A_367], %get3A_364 {add = true} : memref<32768xf32, #tpu.memory_space<vmem>>[vector<16xi32>], vector<16xf32>,
          %slice3A_368 = vector.extract_strided_slice %get3A_139 {offsets = [12], sizes = [1], strides = [1]} : vector<16xi32> to vector<1xi32>
          %squeeze3A_369 = vector.extract %slice3A_368[0] : i32 from vector<1xi32>
          %mul3A_370 = arith.constant 32 : i32
          %mul3A_371 = arith.muli %squeeze3A_369, %mul3A_370 : i32
          %add3A_372 = vector.broadcast %mul3A_371 : i32 to vector<16xi32>
          %add3A_373 = arith.addi %iota3A, %add3A_372 : vector<16xi32>
          %add3A_374 = arith.constant 12 : i32
          %add3A_375 = arith.addi %mul3A_141, %add3A_374 : i32
          %get3A_376 = arith.index_cast %add3A_375 : i32 to index
          %get3A_377 = arith.constant 0 : index
          %get3A_378 = tpu.vector_load %arg6[%get3A_376, %get3A_377] {strides = array<i32>} : memref<256x32xf32, #tpu.memory_space<vmem>>, vector<16xf32>,
          tpu.vector_store_idx %arg10[%add3A_373], %get3A_378 {add = true} : memref<32768xf32, #tpu.memory_space<vmem>>[vector<16xi32>], vector<16xf32>,
          %add3A_379 = arith.constant 12 : i32
          %add3A_380 = arith.addi %mul3A_141, %add3A_379 : i32
          %get3A_381 = arith.index_cast %add3A_380 : i32 to index
          %get3A_382 = arith.constant 16 : index
          %get3A_383 = tpu.vector_load %arg6[%get3A_381, %get3A_382] {strides = array<i32>} : memref<256x32xf32, #tpu.memory_space<vmem>>, vector<16xf32>,
          %add3A_384 = arith.constant 16 : i32
          %add3A_385 = vector.broadcast %add3A_384 : i32 to vector<16xi32>
          %add3A_386 = arith.addi %add3A_373, %add3A_385 : vector<16xi32>
          tpu.vector_store_idx %arg10[%add3A_386], %get3A_383 {add = true} : memref<32768xf32, #tpu.memory_space<vmem>>[vector<16xi32>], vector<16xf32>,
          %slice3A_387 = vector.extract_strided_slice %get3A_139 {offsets = [13], sizes = [1], strides = [1]} : vector<16xi32> to vector<1xi32>
          %squeeze3A_388 = vector.extract %slice3A_387[0] : i32 from vector<1xi32>
          %mul3A_389 = arith.constant 32 : i32
          %mul3A_390 = arith.muli %squeeze3A_388, %mul3A_389 : i32
          %add3A_391 = vector.broadcast %mul3A_390 : i32 to vector<16xi32>
          %add3A_392 = arith.addi %iota3A, %add3A_391 : vector<16xi32>
          %add3A_393 = arith.constant 13 : i32
          %add3A_394 = arith.addi %mul3A_141, %add3A_393 : i32
          %get3A_395 = arith.index_cast %add3A_394 : i32 to index
          %get3A_396 = arith.constant 0 : index
          %get3A_397 = tpu.vector_load %arg6[%get3A_395, %get3A_396] {strides = array<i32>} : memref<256x32xf32, #tpu.memory_space<vmem>>, vector<16xf32>,
          tpu.vector_store_idx %arg10[%add3A_392], %get3A_397 {add = true} : memref<32768xf32, #tpu.memory_space<vmem>>[vector<16xi32>], vector<16xf32>,
          %add3A_398 = arith.constant 13 : i32
          %add3A_399 = arith.addi %mul3A_141, %add3A_398 : i32
          %get3A_400 = arith.index_cast %add3A_399 : i32 to index
          %get3A_401 = arith.constant 16 : index
          %get3A_402 = tpu.vector_load %arg6[%get3A_400, %get3A_401] {strides = array<i32>} : memref<256x32xf32, #tpu.memory_space<vmem>>, vector<16xf32>,
          %add3A_403 = arith.constant 16 : i32
          %add3A_404 = vector.broadcast %add3A_403 : i32 to vector<16xi32>
          %add3A_405 = arith.addi %add3A_392, %add3A_404 : vector<16xi32>
          tpu.vector_store_idx %arg10[%add3A_405], %get3A_402 {add = true} : memref<32768xf32, #tpu.memory_space<vmem>>[vector<16xi32>], vector<16xf32>,
          %slice3A_406 = vector.extract_strided_slice %get3A_139 {offsets = [14], sizes = [1], strides = [1]} : vector<16xi32> to vector<1xi32>
          %squeeze3A_407 = vector.extract %slice3A_406[0] : i32 from vector<1xi32>
          %mul3A_408 = arith.constant 32 : i32
          %mul3A_409 = arith.muli %squeeze3A_407, %mul3A_408 : i32
          %add3A_410 = vector.broadcast %mul3A_409 : i32 to vector<16xi32>
          %add3A_411 = arith.addi %iota3A, %add3A_410 : vector<16xi32>
          %add3A_412 = arith.constant 14 : i32
          %add3A_413 = arith.addi %mul3A_141, %add3A_412 : i32
          %get3A_414 = arith.index_cast %add3A_413 : i32 to index
          %get3A_415 = arith.constant 0 : index
          %get3A_416 = tpu.vector_load %arg6[%get3A_414, %get3A_415] {strides = array<i32>} : memref<256x32xf32, #tpu.memory_space<vmem>>, vector<16xf32>,
          tpu.vector_store_idx %arg10[%add3A_411], %get3A_416 {add = true} : memref<32768xf32, #tpu.memory_space<vmem>>[vector<16xi32>], vector<16xf32>,
          %add3A_417 = arith.constant 14 : i32
          %add3A_418 = arith.addi %mul3A_141, %add3A_417 : i32
          %get3A_419 = arith.index_cast %add3A_418 : i32 to index
          %get3A_420 = arith.constant 16 : index
          %get3A_421 = tpu.vector_load %arg6[%get3A_419, %get3A_420] {strides = array<i32>} : memref<256x32xf32, #tpu.memory_space<vmem>>, vector<16xf32>,
          %add3A_422 = arith.constant 16 : i32
          %add3A_423 = vector.broadcast %add3A_422 : i32 to vector<16xi32>
          %add3A_424 = arith.addi %add3A_411, %add3A_423 : vector<16xi32>
          tpu.vector_store_idx %arg10[%add3A_424], %get3A_421 {add = true} : memref<32768xf32, #tpu.memory_space<vmem>>[vector<16xi32>], vector<16xf32>,
          %slice3A_425 = vector.extract_strided_slice %get3A_139 {offsets = [15], sizes = [1], strides = [1]} : vector<16xi32> to vector<1xi32>
          %squeeze3A_426 = vector.extract %slice3A_425[0] : i32 from vector<1xi32>
          %mul3A_427 = arith.constant 32 : i32
          %mul3A_428 = arith.muli %squeeze3A_426, %mul3A_427 : i32
          %add3A_429 = vector.broadcast %mul3A_428 : i32 to vector<16xi32>
          %add3A_430 = arith.addi %iota3A, %add3A_429 : vector<16xi32>
          %add3A_431 = arith.constant 15 : i32
          %add3A_432 = arith.addi %mul3A_141, %add3A_431 : i32
          %get3A_433 = arith.index_cast %add3A_432 : i32 to index
          %get3A_434 = arith.constant 0 : index
          %get3A_435 = tpu.vector_load %arg6[%get3A_433, %get3A_434] {strides = array<i32>} : memref<256x32xf32, #tpu.memory_space<vmem>>, vector<16xf32>,
          tpu.vector_store_idx %arg10[%add3A_430], %get3A_435 {add = true} : memref<32768xf32, #tpu.memory_space<vmem>>[vector<16xi32>], vector<16xf32>,
          %add3A_436 = arith.constant 15 : i32
          %add3A_437 = arith.addi %mul3A_141, %add3A_436 : i32
          %get3A_438 = arith.index_cast %add3A_437 : i32 to index
          %get3A_439 = arith.constant 16 : index
          %get3A_440 = tpu.vector_load %arg6[%get3A_438, %get3A_439] {strides = array<i32>} : memref<256x32xf32, #tpu.memory_space<vmem>>, vector<16xf32>,
          %add3A_441 = arith.constant 16 : i32
          %add3A_442 = vector.broadcast %add3A_441 : i32 to vector<16xi32>
          %add3A_443 = arith.addi %add3A_430, %add3A_442 : vector<16xi32>
          tpu.vector_store_idx %arg10[%add3A_443], %get3A_440 {add = true} : memref<32768xf32, #tpu.memory_space<vmem>>[vector<16xi32>], vector<16xf32>,
        }
        %scan3A_136 = arith.constant 16 : i32
      } else {
      }
      %add3A_95 = arith.constant 2 : i32
      %add3A_96 = arith.addi %mul3A_76, %add3A_95 : i32
      %mul3A_97 = arith.constant 8 : i32
      %mul3A_98 = arith.muli %mul3A_97, %add3A_96 : i32
      %add3A_99 = arith.addi %select_n3A, %mul3A_98 : i32
      %lt3A_100 = arith.constant 390 : i32
      %lt3A_101 = arith.cmpi slt, %add3A_99, %lt3A_100 : i32
      %convert_element_type3A_102 = arith.extui %lt3A_101 : i1 to i32
      %cond3A_103 = arith.constant 0 : i32
      %cond3A_104 = arith.cmpi ne, %convert_element_type3A_102, %cond3A_103 : i32
      scf.if %cond3A_104 {
        %mul3A_115 = arith.constant 8 : i32
        %mul3A_116 = arith.muli %mul3A_115, %add3A_96 : i32
        %add3A_117 = arith.addi %select_n3A, %mul3A_116 : i32
        %mul3A_118 = arith.constant 256 : i32
        %mul3A_119 = arith.muli %add3A_117, %mul3A_118 : i32
        %mul3A_120 = arith.constant 16 : i32
        %mul3A_121 = arith.muli %add3A_117, %mul3A_120 : i32
        %dma_start3A = arith.constant 0 : i32
        %dma_start3A_122 = tpu.memref_slice %arg2[%mul3A_119, %select_n3A_30, %dma_start3A] : memref<100000x4x32xf32, #tpu.memory_space<hbm>> -> memref<256x1x32xf32, #tpu.memory_space<hbm>>
        %dma_start3A_123 = tpu.memref_squeeze %dma_start3A_122 : memref<256x1x32xf32, #tpu.memory_space<hbm>> -> memref<256x32xf32, #tpu.memory_space<hbm>>
        %dma_start3A_124 = arith.constant 0 : i32
        %dma_start3A_125 = tpu.memref_slice %arg2[%mul3A_119, %select_n3A_30, %dma_start3A_124] : memref<100000x4x32xf32, #tpu.memory_space<hbm>> -> memref<256x1x32xf32, #tpu.memory_space<hbm>>
        %dma_start3A_126 = tpu.memref_squeeze %dma_start3A_125 : memref<256x1x32xf32, #tpu.memory_space<hbm>> -> memref<256x32xf32, #tpu.memory_space<hbm>>
        tpu.enqueue_dma source(%dma_start3A_126 : memref<256x32xf32, #tpu.memory_space<hbm>>) target(%arg6 : memref<256x32xf32, #tpu.memory_space<vmem>>) target_semaphore(%arg12 : memref<!tpu.dma_semaphore, #tpu.memory_space<semaphore_mem>>)
        %dma_start3A_127 = arith.constant 0 : i32
        %dma_start3A_128 = tpu.memref_slice %arg3[%mul3A_121, %dma_start3A_127] : memref<6250x16xi32, #tpu.memory_space<hbm>> -> memref<16x16xi32, #tpu.memory_space<hbm>>
        %dma_start3A_129 = arith.constant 0 : i32
        %dma_start3A_130 = tpu.memref_slice %arg3[%mul3A_121, %dma_start3A_129] : memref<6250x16xi32, #tpu.memory_space<hbm>> -> memref<16x16xi32, #tpu.memory_space<hbm>>
        tpu.enqueue_dma source(%dma_start3A_130 : memref<16x16xi32, #tpu.memory_space<hbm>>) target(%arg8 : memref<16x16xi32, #tpu.memory_space<vmem>>) target_semaphore(%arg12 : memref<!tpu.dma_semaphore, #tpu.memory_space<semaphore_mem>>)
      } else {
      }
      %add3A_105 = arith.constant 1 : i32
      %add3A_106 = arith.addi %mul3A_76, %add3A_105 : i32
      %mul3A_107 = arith.constant 8 : i32
      %mul3A_108 = arith.muli %mul3A_107, %add3A_106 : i32
      %add3A_109 = arith.addi %select_n3A, %mul3A_108 : i32
      %lt3A_110 = arith.constant 390 : i32
      %lt3A_111 = arith.cmpi slt, %add3A_109, %lt3A_110 : i32
      %convert_element_type3A_112 = arith.extui %lt3A_111 : i1 to i32
      %cond3A_113 = arith.constant 0 : i32
      %cond3A_114 = arith.cmpi ne, %convert_element_type3A_112, %cond3A_113 : i32
      scf.if %cond3A_114 {
        %mul3A_115 = arith.constant 8 : i32
        %mul3A_116 = arith.muli %mul3A_115, %add3A_106 : i32
        %add3A_117 = arith.addi %select_n3A, %mul3A_116 : i32
        %mul3A_118 = arith.constant 256 : i32
        %mul3A_119 = arith.muli %add3A_117, %mul3A_118 : i32
        %mul3A_120 = arith.constant 16 : i32
        %mul3A_121 = arith.muli %add3A_117, %mul3A_120 : i32
        %dma_wait3A = arith.constant 0 : i32
        %dma_wait3A_122 = tpu.memref_slice %arg2[%mul3A_119, %select_n3A_30, %dma_wait3A] : memref<100000x4x32xf32, #tpu.memory_space<hbm>> -> memref<256x1x32xf32, #tpu.memory_space<hbm>>
        %dma_wait3A_123 = tpu.memref_squeeze %dma_wait3A_122 : memref<256x1x32xf32, #tpu.memory_space<hbm>> -> memref<256x32xf32, #tpu.memory_space<hbm>>
        %dma_wait3A_124 = arith.constant 0 : i32
        %dma_wait3A_125 = tpu.memref_slice %arg2[%mul3A_119, %select_n3A_30, %dma_wait3A_124] : memref<100000x4x32xf32, #tpu.memory_space<hbm>> -> memref<256x1x32xf32, #tpu.memory_space<hbm>>
        %dma_wait3A_126 = tpu.memref_squeeze %dma_wait3A_125 : memref<256x1x32xf32, #tpu.memory_space<hbm>> -> memref<256x32xf32, #tpu.memory_space<hbm>>
        tpu.wait_dma2 semaphore(%arg13 : memref<!tpu.dma_semaphore, #tpu.memory_space<semaphore_mem>>) src(%dma_wait3A_126 : memref<256x32xf32, #tpu.memory_space<hbm>>) dst(%arg7 : memref<256x32xf32, #tpu.memory_space<vmem>>)
        %dma_wait3A_127 = arith.constant 0 : i32
        %dma_wait3A_128 = tpu.memref_slice %arg3[%mul3A_121, %dma_wait3A_127] : memref<6250x16xi32, #tpu.memory_space<hbm>> -> memref<16x16xi32, #tpu.memory_space<hbm>>
        %dma_wait3A_129 = arith.constant 0 : i32
        %dma_wait3A_130 = tpu.memref_slice %arg3[%mul3A_121, %dma_wait3A_129] : memref<6250x16xi32, #tpu.memory_space<hbm>> -> memref<16x16xi32, #tpu.memory_space<hbm>>
        tpu.wait_dma2 semaphore(%arg13 : memref<!tpu.dma_semaphore, #tpu.memory_space<semaphore_mem>>) src(%dma_wait3A_130 : memref<16x16xi32, #tpu.memory_space<hbm>>) dst(%arg9 : memref<16x16xi32, #tpu.memory_space<vmem>>)
        %scan3A_131 = arith.constant 0 : i32
        %scan3A_132 = arith.constant 0 : i32
        %scan3A_133 = arith.constant 16 : i32
        %scan3A_134 = arith.addi %scan3A_132, %scan3A_133 : i32
        %scan3A_135 = arith.constant 1 : i32
        scf.for %scan3A_137 = %scan3A_132 to %scan3A_134 step %scan3A_135  : i32 {
          %get3A = arith.index_cast %scan3A_137 : i32 to index
          %get3A_138 = arith.constant 0 : index
          %get3A_139 = tpu.vector_load %arg9[%get3A, %get3A_138] {strides = array<i32>} : memref<16x16xi32, #tpu.memory_space<vmem>>, vector<16xi32>,
          tpu.vector_store_idx %arg11[%get3A_139], %broadcast_in_dim3A_33 masked %broadcast_in_dim3A_36 {add = true} : memref<1024xf32, #tpu.memory_space<vmem>>[vector<16xi32>], vector<16xf32>, vector<16xi1>
          %mul3A_140 = arith.constant 16 : i32
          %mul3A_141 = arith.muli %scan3A_137, %mul3A_140 : i32
          %slice3A = vector.extract_strided_slice %get3A_139 {offsets = [0], sizes = [1], strides = [1]} : vector<16xi32> to vector<1xi32>
          %squeeze3A = vector.extract %slice3A[0] : i32 from vector<1xi32>
          %mul3A_142 = arith.constant 32 : i32
          %mul3A_143 = arith.muli %squeeze3A, %mul3A_142 : i32
          %add3A_144 = vector.broadcast %mul3A_143 : i32 to vector<16xi32>
          %add3A_145 = arith.addi %iota3A, %add3A_144 : vector<16xi32>
          %add3A_146 = arith.constant 0 : i32
          %add3A_147 = arith.addi %mul3A_141, %add3A_146 : i32
          %get3A_148 = arith.index_cast %add3A_147 : i32 to index
          %get3A_149 = arith.constant 0 : index
          %get3A_150 = tpu.vector_load %arg7[%get3A_148, %get3A_149] {strides = array<i32>} : memref<256x32xf32, #tpu.memory_space<vmem>>, vector<16xf32>,
          tpu.vector_store_idx %arg10[%add3A_145], %get3A_150 {add = true} : memref<32768xf32, #tpu.memory_space<vmem>>[vector<16xi32>], vector<16xf32>,
          %add3A_151 = arith.constant 0 : i32
          %add3A_152 = arith.addi %mul3A_141, %add3A_151 : i32
          %get3A_153 = arith.index_cast %add3A_152 : i32 to index
          %get3A_154 = arith.constant 16 : index
          %get3A_155 = tpu.vector_load %arg7[%get3A_153, %get3A_154] {strides = array<i32>} : memref<256x32xf32, #tpu.memory_space<vmem>>, vector<16xf32>,
          %add3A_156 = arith.constant 16 : i32
          %add3A_157 = vector.broadcast %add3A_156 : i32 to vector<16xi32>
          %add3A_158 = arith.addi %add3A_145, %add3A_157 : vector<16xi32>
          tpu.vector_store_idx %arg10[%add3A_158], %get3A_155 {add = true} : memref<32768xf32, #tpu.memory_space<vmem>>[vector<16xi32>], vector<16xf32>,
          %slice3A_159 = vector.extract_strided_slice %get3A_139 {offsets = [1], sizes = [1], strides = [1]} : vector<16xi32> to vector<1xi32>
          %squeeze3A_160 = vector.extract %slice3A_159[0] : i32 from vector<1xi32>
          %mul3A_161 = arith.constant 32 : i32
          %mul3A_162 = arith.muli %squeeze3A_160, %mul3A_161 : i32
          %add3A_163 = vector.broadcast %mul3A_162 : i32 to vector<16xi32>
          %add3A_164 = arith.addi %iota3A, %add3A_163 : vector<16xi32>
          %add3A_165 = arith.constant 1 : i32
          %add3A_166 = arith.addi %mul3A_141, %add3A_165 : i32
          %get3A_167 = arith.index_cast %add3A_166 : i32 to index
          %get3A_168 = arith.constant 0 : index
          %get3A_169 = tpu.vector_load %arg7[%get3A_167, %get3A_168] {strides = array<i32>} : memref<256x32xf32, #tpu.memory_space<vmem>>, vector<16xf32>,
          tpu.vector_store_idx %arg10[%add3A_164], %get3A_169 {add = true} : memref<32768xf32, #tpu.memory_space<vmem>>[vector<16xi32>], vector<16xf32>,
          %add3A_170 = arith.constant 1 : i32
          %add3A_171 = arith.addi %mul3A_141, %add3A_170 : i32
          %get3A_172 = arith.index_cast %add3A_171 : i32 to index
          %get3A_173 = arith.constant 16 : index
          %get3A_174 = tpu.vector_load %arg7[%get3A_172, %get3A_173] {strides = array<i32>} : memref<256x32xf32, #tpu.memory_space<vmem>>, vector<16xf32>,
          %add3A_175 = arith.constant 16 : i32
          %add3A_176 = vector.broadcast %add3A_175 : i32 to vector<16xi32>
          %add3A_177 = arith.addi %add3A_164, %add3A_176 : vector<16xi32>
          tpu.vector_store_idx %arg10[%add3A_177], %get3A_174 {add = true} : memref<32768xf32, #tpu.memory_space<vmem>>[vector<16xi32>], vector<16xf32>,
          %slice3A_178 = vector.extract_strided_slice %get3A_139 {offsets = [2], sizes = [1], strides = [1]} : vector<16xi32> to vector<1xi32>
          %squeeze3A_179 = vector.extract %slice3A_178[0] : i32 from vector<1xi32>
          %mul3A_180 = arith.constant 32 : i32
          %mul3A_181 = arith.muli %squeeze3A_179, %mul3A_180 : i32
          %add3A_182 = vector.broadcast %mul3A_181 : i32 to vector<16xi32>
          %add3A_183 = arith.addi %iota3A, %add3A_182 : vector<16xi32>
          %add3A_184 = arith.constant 2 : i32
          %add3A_185 = arith.addi %mul3A_141, %add3A_184 : i32
          %get3A_186 = arith.index_cast %add3A_185 : i32 to index
          %get3A_187 = arith.constant 0 : index
          %get3A_188 = tpu.vector_load %arg7[%get3A_186, %get3A_187] {strides = array<i32>} : memref<256x32xf32, #tpu.memory_space<vmem>>, vector<16xf32>,
          tpu.vector_store_idx %arg10[%add3A_183], %get3A_188 {add = true} : memref<32768xf32, #tpu.memory_space<vmem>>[vector<16xi32>], vector<16xf32>,
          %add3A_189 = arith.constant 2 : i32
          %add3A_190 = arith.addi %mul3A_141, %add3A_189 : i32
          %get3A_191 = arith.index_cast %add3A_190 : i32 to index
          %get3A_192 = arith.constant 16 : index
          %get3A_193 = tpu.vector_load %arg7[%get3A_191, %get3A_192] {strides = array<i32>} : memref<256x32xf32, #tpu.memory_space<vmem>>, vector<16xf32>,
          %add3A_194 = arith.constant 16 : i32
          %add3A_195 = vector.broadcast %add3A_194 : i32 to vector<16xi32>
          %add3A_196 = arith.addi %add3A_183, %add3A_195 : vector<16xi32>
          tpu.vector_store_idx %arg10[%add3A_196], %get3A_193 {add = true} : memref<32768xf32, #tpu.memory_space<vmem>>[vector<16xi32>], vector<16xf32>,
          %slice3A_197 = vector.extract_strided_slice %get3A_139 {offsets = [3], sizes = [1], strides = [1]} : vector<16xi32> to vector<1xi32>
          %squeeze3A_198 = vector.extract %slice3A_197[0] : i32 from vector<1xi32>
          %mul3A_199 = arith.constant 32 : i32
          %mul3A_200 = arith.muli %squeeze3A_198, %mul3A_199 : i32
          %add3A_201 = vector.broadcast %mul3A_200 : i32 to vector<16xi32>
          %add3A_202 = arith.addi %iota3A, %add3A_201 : vector<16xi32>
          %add3A_203 = arith.constant 3 : i32
          %add3A_204 = arith.addi %mul3A_141, %add3A_203 : i32
          %get3A_205 = arith.index_cast %add3A_204 : i32 to index
          %get3A_206 = arith.constant 0 : index
          %get3A_207 = tpu.vector_load %arg7[%get3A_205, %get3A_206] {strides = array<i32>} : memref<256x32xf32, #tpu.memory_space<vmem>>, vector<16xf32>,
          tpu.vector_store_idx %arg10[%add3A_202], %get3A_207 {add = true} : memref<32768xf32, #tpu.memory_space<vmem>>[vector<16xi32>], vector<16xf32>,
          %add3A_208 = arith.constant 3 : i32
          %add3A_209 = arith.addi %mul3A_141, %add3A_208 : i32
          %get3A_210 = arith.index_cast %add3A_209 : i32 to index
          %get3A_211 = arith.constant 16 : index
          %get3A_212 = tpu.vector_load %arg7[%get3A_210, %get3A_211] {strides = array<i32>} : memref<256x32xf32, #tpu.memory_space<vmem>>, vector<16xf32>,
          %add3A_213 = arith.constant 16 : i32
          %add3A_214 = vector.broadcast %add3A_213 : i32 to vector<16xi32>
          %add3A_215 = arith.addi %add3A_202, %add3A_214 : vector<16xi32>
          tpu.vector_store_idx %arg10[%add3A_215], %get3A_212 {add = true} : memref<32768xf32, #tpu.memory_space<vmem>>[vector<16xi32>], vector<16xf32>,
          %slice3A_216 = vector.extract_strided_slice %get3A_139 {offsets = [4], sizes = [1], strides = [1]} : vector<16xi32> to vector<1xi32>
          %squeeze3A_217 = vector.extract %slice3A_216[0] : i32 from vector<1xi32>
          %mul3A_218 = arith.constant 32 : i32
          %mul3A_219 = arith.muli %squeeze3A_217, %mul3A_218 : i32
          %add3A_220 = vector.broadcast %mul3A_219 : i32 to vector<16xi32>
          %add3A_221 = arith.addi %iota3A, %add3A_220 : vector<16xi32>
          %add3A_222 = arith.constant 4 : i32
          %add3A_223 = arith.addi %mul3A_141, %add3A_222 : i32
          %get3A_224 = arith.index_cast %add3A_223 : i32 to index
          %get3A_225 = arith.constant 0 : index
          %get3A_226 = tpu.vector_load %arg7[%get3A_224, %get3A_225] {strides = array<i32>} : memref<256x32xf32, #tpu.memory_space<vmem>>, vector<16xf32>,
          tpu.vector_store_idx %arg10[%add3A_221], %get3A_226 {add = true} : memref<32768xf32, #tpu.memory_space<vmem>>[vector<16xi32>], vector<16xf32>,
          %add3A_227 = arith.constant 4 : i32
          %add3A_228 = arith.addi %mul3A_141, %add3A_227 : i32
          %get3A_229 = arith.index_cast %add3A_228 : i32 to index
          %get3A_230 = arith.constant 16 : index
          %get3A_231 = tpu.vector_load %arg7[%get3A_229, %get3A_230] {strides = array<i32>} : memref<256x32xf32, #tpu.memory_space<vmem>>, vector<16xf32>,
          %add3A_232 = arith.constant 16 : i32
          %add3A_233 = vector.broadcast %add3A_232 : i32 to vector<16xi32>
          %add3A_234 = arith.addi %add3A_221, %add3A_233 : vector<16xi32>
          tpu.vector_store_idx %arg10[%add3A_234], %get3A_231 {add = true} : memref<32768xf32, #tpu.memory_space<vmem>>[vector<16xi32>], vector<16xf32>,
          %slice3A_235 = vector.extract_strided_slice %get3A_139 {offsets = [5], sizes = [1], strides = [1]} : vector<16xi32> to vector<1xi32>
          %squeeze3A_236 = vector.extract %slice3A_235[0] : i32 from vector<1xi32>
          %mul3A_237 = arith.constant 32 : i32
          %mul3A_238 = arith.muli %squeeze3A_236, %mul3A_237 : i32
          %add3A_239 = vector.broadcast %mul3A_238 : i32 to vector<16xi32>
          %add3A_240 = arith.addi %iota3A, %add3A_239 : vector<16xi32>
          %add3A_241 = arith.constant 5 : i32
          %add3A_242 = arith.addi %mul3A_141, %add3A_241 : i32
          %get3A_243 = arith.index_cast %add3A_242 : i32 to index
          %get3A_244 = arith.constant 0 : index
          %get3A_245 = tpu.vector_load %arg7[%get3A_243, %get3A_244] {strides = array<i32>} : memref<256x32xf32, #tpu.memory_space<vmem>>, vector<16xf32>,
          tpu.vector_store_idx %arg10[%add3A_240], %get3A_245 {add = true} : memref<32768xf32, #tpu.memory_space<vmem>>[vector<16xi32>], vector<16xf32>,
          %add3A_246 = arith.constant 5 : i32
          %add3A_247 = arith.addi %mul3A_141, %add3A_246 : i32
          %get3A_248 = arith.index_cast %add3A_247 : i32 to index
          %get3A_249 = arith.constant 16 : index
          %get3A_250 = tpu.vector_load %arg7[%get3A_248, %get3A_249] {strides = array<i32>} : memref<256x32xf32, #tpu.memory_space<vmem>>, vector<16xf32>,
          %add3A_251 = arith.constant 16 : i32
          %add3A_252 = vector.broadcast %add3A_251 : i32 to vector<16xi32>
          %add3A_253 = arith.addi %add3A_240, %add3A_252 : vector<16xi32>
          tpu.vector_store_idx %arg10[%add3A_253], %get3A_250 {add = true} : memref<32768xf32, #tpu.memory_space<vmem>>[vector<16xi32>], vector<16xf32>,
          %slice3A_254 = vector.extract_strided_slice %get3A_139 {offsets = [6], sizes = [1], strides = [1]} : vector<16xi32> to vector<1xi32>
          %squeeze3A_255 = vector.extract %slice3A_254[0] : i32 from vector<1xi32>
          %mul3A_256 = arith.constant 32 : i32
          %mul3A_257 = arith.muli %squeeze3A_255, %mul3A_256 : i32
          %add3A_258 = vector.broadcast %mul3A_257 : i32 to vector<16xi32>
          %add3A_259 = arith.addi %iota3A, %add3A_258 : vector<16xi32>
          %add3A_260 = arith.constant 6 : i32
          %add3A_261 = arith.addi %mul3A_141, %add3A_260 : i32
          %get3A_262 = arith.index_cast %add3A_261 : i32 to index
          %get3A_263 = arith.constant 0 : index
          %get3A_264 = tpu.vector_load %arg7[%get3A_262, %get3A_263] {strides = array<i32>} : memref<256x32xf32, #tpu.memory_space<vmem>>, vector<16xf32>,
          tpu.vector_store_idx %arg10[%add3A_259], %get3A_264 {add = true} : memref<32768xf32, #tpu.memory_space<vmem>>[vector<16xi32>], vector<16xf32>,
          %add3A_265 = arith.constant 6 : i32
          %add3A_266 = arith.addi %mul3A_141, %add3A_265 : i32
          %get3A_267 = arith.index_cast %add3A_266 : i32 to index
          %get3A_268 = arith.constant 16 : index
          %get3A_269 = tpu.vector_load %arg7[%get3A_267, %get3A_268] {strides = array<i32>} : memref<256x32xf32, #tpu.memory_space<vmem>>, vector<16xf32>,
          %add3A_270 = arith.constant 16 : i32
          %add3A_271 = vector.broadcast %add3A_270 : i32 to vector<16xi32>
          %add3A_272 = arith.addi %add3A_259, %add3A_271 : vector<16xi32>
          tpu.vector_store_idx %arg10[%add3A_272], %get3A_269 {add = true} : memref<32768xf32, #tpu.memory_space<vmem>>[vector<16xi32>], vector<16xf32>,
          %slice3A_273 = vector.extract_strided_slice %get3A_139 {offsets = [7], sizes = [1], strides = [1]} : vector<16xi32> to vector<1xi32>
          %squeeze3A_274 = vector.extract %slice3A_273[0] : i32 from vector<1xi32>
          %mul3A_275 = arith.constant 32 : i32
          %mul3A_276 = arith.muli %squeeze3A_274, %mul3A_275 : i32
          %add3A_277 = vector.broadcast %mul3A_276 : i32 to vector<16xi32>
          %add3A_278 = arith.addi %iota3A, %add3A_277 : vector<16xi32>
          %add3A_279 = arith.constant 7 : i32
          %add3A_280 = arith.addi %mul3A_141, %add3A_279 : i32
          %get3A_281 = arith.index_cast %add3A_280 : i32 to index
          %get3A_282 = arith.constant 0 : index
          %get3A_283 = tpu.vector_load %arg7[%get3A_281, %get3A_282] {strides = array<i32>} : memref<256x32xf32, #tpu.memory_space<vmem>>, vector<16xf32>,
          tpu.vector_store_idx %arg10[%add3A_278], %get3A_283 {add = true} : memref<32768xf32, #tpu.memory_space<vmem>>[vector<16xi32>], vector<16xf32>,
          %add3A_284 = arith.constant 7 : i32
          %add3A_285 = arith.addi %mul3A_141, %add3A_284 : i32
          %get3A_286 = arith.index_cast %add3A_285 : i32 to index
          %get3A_287 = arith.constant 16 : index
          %get3A_288 = tpu.vector_load %arg7[%get3A_286, %get3A_287] {strides = array<i32>} : memref<256x32xf32, #tpu.memory_space<vmem>>, vector<16xf32>,
          %add3A_289 = arith.constant 16 : i32
          %add3A_290 = vector.broadcast %add3A_289 : i32 to vector<16xi32>
          %add3A_291 = arith.addi %add3A_278, %add3A_290 : vector<16xi32>
          tpu.vector_store_idx %arg10[%add3A_291], %get3A_288 {add = true} : memref<32768xf32, #tpu.memory_space<vmem>>[vector<16xi32>], vector<16xf32>,
          %slice3A_292 = vector.extract_strided_slice %get3A_139 {offsets = [8], sizes = [1], strides = [1]} : vector<16xi32> to vector<1xi32>
          %squeeze3A_293 = vector.extract %slice3A_292[0] : i32 from vector<1xi32>
          %mul3A_294 = arith.constant 32 : i32
          %mul3A_295 = arith.muli %squeeze3A_293, %mul3A_294 : i32
          %add3A_296 = vector.broadcast %mul3A_295 : i32 to vector<16xi32>
          %add3A_297 = arith.addi %iota3A, %add3A_296 : vector<16xi32>
          %add3A_298 = arith.constant 8 : i32
          %add3A_299 = arith.addi %mul3A_141, %add3A_298 : i32
          %get3A_300 = arith.index_cast %add3A_299 : i32 to index
          %get3A_301 = arith.constant 0 : index
          %get3A_302 = tpu.vector_load %arg7[%get3A_300, %get3A_301] {strides = array<i32>} : memref<256x32xf32, #tpu.memory_space<vmem>>, vector<16xf32>,
          tpu.vector_store_idx %arg10[%add3A_297], %get3A_302 {add = true} : memref<32768xf32, #tpu.memory_space<vmem>>[vector<16xi32>], vector<16xf32>,
          %add3A_303 = arith.constant 8 : i32
          %add3A_304 = arith.addi %mul3A_141, %add3A_303 : i32
          %get3A_305 = arith.index_cast %add3A_304 : i32 to index
          %get3A_306 = arith.constant 16 : index
          %get3A_307 = tpu.vector_load %arg7[%get3A_305, %get3A_306] {strides = array<i32>} : memref<256x32xf32, #tpu.memory_space<vmem>>, vector<16xf32>,
          %add3A_308 = arith.constant 16 : i32
          %add3A_309 = vector.broadcast %add3A_308 : i32 to vector<16xi32>
          %add3A_310 = arith.addi %add3A_297, %add3A_309 : vector<16xi32>
          tpu.vector_store_idx %arg10[%add3A_310], %get3A_307 {add = true} : memref<32768xf32, #tpu.memory_space<vmem>>[vector<16xi32>], vector<16xf32>,
          %slice3A_311 = vector.extract_strided_slice %get3A_139 {offsets = [9], sizes = [1], strides = [1]} : vector<16xi32> to vector<1xi32>
          %squeeze3A_312 = vector.extract %slice3A_311[0] : i32 from vector<1xi32>
          %mul3A_313 = arith.constant 32 : i32
          %mul3A_314 = arith.muli %squeeze3A_312, %mul3A_313 : i32
          %add3A_315 = vector.broadcast %mul3A_314 : i32 to vector<16xi32>
          %add3A_316 = arith.addi %iota3A, %add3A_315 : vector<16xi32>
          %add3A_317 = arith.constant 9 : i32
          %add3A_318 = arith.addi %mul3A_141, %add3A_317 : i32
          %get3A_319 = arith.index_cast %add3A_318 : i32 to index
          %get3A_320 = arith.constant 0 : index
          %get3A_321 = tpu.vector_load %arg7[%get3A_319, %get3A_320] {strides = array<i32>} : memref<256x32xf32, #tpu.memory_space<vmem>>, vector<16xf32>,
          tpu.vector_store_idx %arg10[%add3A_316], %get3A_321 {add = true} : memref<32768xf32, #tpu.memory_space<vmem>>[vector<16xi32>], vector<16xf32>,
          %add3A_322 = arith.constant 9 : i32
          %add3A_323 = arith.addi %mul3A_141, %add3A_322 : i32
          %get3A_324 = arith.index_cast %add3A_323 : i32 to index
          %get3A_325 = arith.constant 16 : index
          %get3A_326 = tpu.vector_load %arg7[%get3A_324, %get3A_325] {strides = array<i32>} : memref<256x32xf32, #tpu.memory_space<vmem>>, vector<16xf32>,
          %add3A_327 = arith.constant 16 : i32
          %add3A_328 = vector.broadcast %add3A_327 : i32 to vector<16xi32>
          %add3A_329 = arith.addi %add3A_316, %add3A_328 : vector<16xi32>
          tpu.vector_store_idx %arg10[%add3A_329], %get3A_326 {add = true} : memref<32768xf32, #tpu.memory_space<vmem>>[vector<16xi32>], vector<16xf32>,
          %slice3A_330 = vector.extract_strided_slice %get3A_139 {offsets = [10], sizes = [1], strides = [1]} : vector<16xi32> to vector<1xi32>
          %squeeze3A_331 = vector.extract %slice3A_330[0] : i32 from vector<1xi32>
          %mul3A_332 = arith.constant 32 : i32
          %mul3A_333 = arith.muli %squeeze3A_331, %mul3A_332 : i32
          %add3A_334 = vector.broadcast %mul3A_333 : i32 to vector<16xi32>
          %add3A_335 = arith.addi %iota3A, %add3A_334 : vector<16xi32>
          %add3A_336 = arith.constant 10 : i32
          %add3A_337 = arith.addi %mul3A_141, %add3A_336 : i32
          %get3A_338 = arith.index_cast %add3A_337 : i32 to index
          %get3A_339 = arith.constant 0 : index
          %get3A_340 = tpu.vector_load %arg7[%get3A_338, %get3A_339] {strides = array<i32>} : memref<256x32xf32, #tpu.memory_space<vmem>>, vector<16xf32>,
          tpu.vector_store_idx %arg10[%add3A_335], %get3A_340 {add = true} : memref<32768xf32, #tpu.memory_space<vmem>>[vector<16xi32>], vector<16xf32>,
          %add3A_341 = arith.constant 10 : i32
          %add3A_342 = arith.addi %mul3A_141, %add3A_341 : i32
          %get3A_343 = arith.index_cast %add3A_342 : i32 to index
          %get3A_344 = arith.constant 16 : index
          %get3A_345 = tpu.vector_load %arg7[%get3A_343, %get3A_344] {strides = array<i32>} : memref<256x32xf32, #tpu.memory_space<vmem>>, vector<16xf32>,
          %add3A_346 = arith.constant 16 : i32
          %add3A_347 = vector.broadcast %add3A_346 : i32 to vector<16xi32>
          %add3A_348 = arith.addi %add3A_335, %add3A_347 : vector<16xi32>
          tpu.vector_store_idx %arg10[%add3A_348], %get3A_345 {add = true} : memref<32768xf32, #tpu.memory_space<vmem>>[vector<16xi32>], vector<16xf32>,
          %slice3A_349 = vector.extract_strided_slice %get3A_139 {offsets = [11], sizes = [1], strides = [1]} : vector<16xi32> to vector<1xi32>
          %squeeze3A_350 = vector.extract %slice3A_349[0] : i32 from vector<1xi32>
          %mul3A_351 = arith.constant 32 : i32
          %mul3A_352 = arith.muli %squeeze3A_350, %mul3A_351 : i32
          %add3A_353 = vector.broadcast %mul3A_352 : i32 to vector<16xi32>
          %add3A_354 = arith.addi %iota3A, %add3A_353 : vector<16xi32>
          %add3A_355 = arith.constant 11 : i32
          %add3A_356 = arith.addi %mul3A_141, %add3A_355 : i32
          %get3A_357 = arith.index_cast %add3A_356 : i32 to index
          %get3A_358 = arith.constant 0 : index
          %get3A_359 = tpu.vector_load %arg7[%get3A_357, %get3A_358] {strides = array<i32>} : memref<256x32xf32, #tpu.memory_space<vmem>>, vector<16xf32>,
          tpu.vector_store_idx %arg10[%add3A_354], %get3A_359 {add = true} : memref<32768xf32, #tpu.memory_space<vmem>>[vector<16xi32>], vector<16xf32>,
          %add3A_360 = arith.constant 11 : i32
          %add3A_361 = arith.addi %mul3A_141, %add3A_360 : i32
          %get3A_362 = arith.index_cast %add3A_361 : i32 to index
          %get3A_363 = arith.constant 16 : index
          %get3A_364 = tpu.vector_load %arg7[%get3A_362, %get3A_363] {strides = array<i32>} : memref<256x32xf32, #tpu.memory_space<vmem>>, vector<16xf32>,
          %add3A_365 = arith.constant 16 : i32
          %add3A_366 = vector.broadcast %add3A_365 : i32 to vector<16xi32>
          %add3A_367 = arith.addi %add3A_354, %add3A_366 : vector<16xi32>
          tpu.vector_store_idx %arg10[%add3A_367], %get3A_364 {add = true} : memref<32768xf32, #tpu.memory_space<vmem>>[vector<16xi32>], vector<16xf32>,
          %slice3A_368 = vector.extract_strided_slice %get3A_139 {offsets = [12], sizes = [1], strides = [1]} : vector<16xi32> to vector<1xi32>
          %squeeze3A_369 = vector.extract %slice3A_368[0] : i32 from vector<1xi32>
          %mul3A_370 = arith.constant 32 : i32
          %mul3A_371 = arith.muli %squeeze3A_369, %mul3A_370 : i32
          %add3A_372 = vector.broadcast %mul3A_371 : i32 to vector<16xi32>
          %add3A_373 = arith.addi %iota3A, %add3A_372 : vector<16xi32>
          %add3A_374 = arith.constant 12 : i32
          %add3A_375 = arith.addi %mul3A_141, %add3A_374 : i32
          %get3A_376 = arith.index_cast %add3A_375 : i32 to index
          %get3A_377 = arith.constant 0 : index
          %get3A_378 = tpu.vector_load %arg7[%get3A_376, %get3A_377] {strides = array<i32>} : memref<256x32xf32, #tpu.memory_space<vmem>>, vector<16xf32>,
          tpu.vector_store_idx %arg10[%add3A_373], %get3A_378 {add = true} : memref<32768xf32, #tpu.memory_space<vmem>>[vector<16xi32>], vector<16xf32>,
          %add3A_379 = arith.constant 12 : i32
          %add3A_380 = arith.addi %mul3A_141, %add3A_379 : i32
          %get3A_381 = arith.index_cast %add3A_380 : i32 to index
          %get3A_382 = arith.constant 16 : index
          %get3A_383 = tpu.vector_load %arg7[%get3A_381, %get3A_382] {strides = array<i32>} : memref<256x32xf32, #tpu.memory_space<vmem>>, vector<16xf32>,
          %add3A_384 = arith.constant 16 : i32
          %add3A_385 = vector.broadcast %add3A_384 : i32 to vector<16xi32>
          %add3A_386 = arith.addi %add3A_373, %add3A_385 : vector<16xi32>
          tpu.vector_store_idx %arg10[%add3A_386], %get3A_383 {add = true} : memref<32768xf32, #tpu.memory_space<vmem>>[vector<16xi32>], vector<16xf32>,
          %slice3A_387 = vector.extract_strided_slice %get3A_139 {offsets = [13], sizes = [1], strides = [1]} : vector<16xi32> to vector<1xi32>
          %squeeze3A_388 = vector.extract %slice3A_387[0] : i32 from vector<1xi32>
          %mul3A_389 = arith.constant 32 : i32
          %mul3A_390 = arith.muli %squeeze3A_388, %mul3A_389 : i32
          %add3A_391 = vector.broadcast %mul3A_390 : i32 to vector<16xi32>
          %add3A_392 = arith.addi %iota3A, %add3A_391 : vector<16xi32>
          %add3A_393 = arith.constant 13 : i32
          %add3A_394 = arith.addi %mul3A_141, %add3A_393 : i32
          %get3A_395 = arith.index_cast %add3A_394 : i32 to index
          %get3A_396 = arith.constant 0 : index
          %get3A_397 = tpu.vector_load %arg7[%get3A_395, %get3A_396] {strides = array<i32>} : memref<256x32xf32, #tpu.memory_space<vmem>>, vector<16xf32>,
          tpu.vector_store_idx %arg10[%add3A_392], %get3A_397 {add = true} : memref<32768xf32, #tpu.memory_space<vmem>>[vector<16xi32>], vector<16xf32>,
          %add3A_398 = arith.constant 13 : i32
          %add3A_399 = arith.addi %mul3A_141, %add3A_398 : i32
          %get3A_400 = arith.index_cast %add3A_399 : i32 to index
          %get3A_401 = arith.constant 16 : index
          %get3A_402 = tpu.vector_load %arg7[%get3A_400, %get3A_401] {strides = array<i32>} : memref<256x32xf32, #tpu.memory_space<vmem>>, vector<16xf32>,
          %add3A_403 = arith.constant 16 : i32
          %add3A_404 = vector.broadcast %add3A_403 : i32 to vector<16xi32>
          %add3A_405 = arith.addi %add3A_392, %add3A_404 : vector<16xi32>
          tpu.vector_store_idx %arg10[%add3A_405], %get3A_402 {add = true} : memref<32768xf32, #tpu.memory_space<vmem>>[vector<16xi32>], vector<16xf32>,
          %slice3A_406 = vector.extract_strided_slice %get3A_139 {offsets = [14], sizes = [1], strides = [1]} : vector<16xi32> to vector<1xi32>
          %squeeze3A_407 = vector.extract %slice3A_406[0] : i32 from vector<1xi32>
          %mul3A_408 = arith.constant 32 : i32
          %mul3A_409 = arith.muli %squeeze3A_407, %mul3A_408 : i32
          %add3A_410 = vector.broadcast %mul3A_409 : i32 to vector<16xi32>
          %add3A_411 = arith.addi %iota3A, %add3A_410 : vector<16xi32>
          %add3A_412 = arith.constant 14 : i32
          %add3A_413 = arith.addi %mul3A_141, %add3A_412 : i32
          %get3A_414 = arith.index_cast %add3A_413 : i32 to index
          %get3A_415 = arith.constant 0 : index
          %get3A_416 = tpu.vector_load %arg7[%get3A_414, %get3A_415] {strides = array<i32>} : memref<256x32xf32, #tpu.memory_space<vmem>>, vector<16xf32>,
          tpu.vector_store_idx %arg10[%add3A_411], %get3A_416 {add = true} : memref<32768xf32, #tpu.memory_space<vmem>>[vector<16xi32>], vector<16xf32>,
          %add3A_417 = arith.constant 14 : i32
          %add3A_418 = arith.addi %mul3A_141, %add3A_417 : i32
          %get3A_419 = arith.index_cast %add3A_418 : i32 to index
          %get3A_420 = arith.constant 16 : index
          %get3A_421 = tpu.vector_load %arg7[%get3A_419, %get3A_420] {strides = array<i32>} : memref<256x32xf32, #tpu.memory_space<vmem>>, vector<16xf32>,
          %add3A_422 = arith.constant 16 : i32
          %add3A_423 = vector.broadcast %add3A_422 : i32 to vector<16xi32>
          %add3A_424 = arith.addi %add3A_411, %add3A_423 : vector<16xi32>
          tpu.vector_store_idx %arg10[%add3A_424], %get3A_421 {add = true} : memref<32768xf32, #tpu.memory_space<vmem>>[vector<16xi32>], vector<16xf32>,
          %slice3A_425 = vector.extract_strided_slice %get3A_139 {offsets = [15], sizes = [1], strides = [1]} : vector<16xi32> to vector<1xi32>
          %squeeze3A_426 = vector.extract %slice3A_425[0] : i32 from vector<1xi32>
          %mul3A_427 = arith.constant 32 : i32
          %mul3A_428 = arith.muli %squeeze3A_426, %mul3A_427 : i32
          %add3A_429 = vector.broadcast %mul3A_428 : i32 to vector<16xi32>
          %add3A_430 = arith.addi %iota3A, %add3A_429 : vector<16xi32>
          %add3A_431 = arith.constant 15 : i32
          %add3A_432 = arith.addi %mul3A_141, %add3A_431 : i32
          %get3A_433 = arith.index_cast %add3A_432 : i32 to index
          %get3A_434 = arith.constant 0 : index
          %get3A_435 = tpu.vector_load %arg7[%get3A_433, %get3A_434] {strides = array<i32>} : memref<256x32xf32, #tpu.memory_space<vmem>>, vector<16xf32>,
          tpu.vector_store_idx %arg10[%add3A_430], %get3A_435 {add = true} : memref<32768xf32, #tpu.memory_space<vmem>>[vector<16xi32>], vector<16xf32>,
          %add3A_436 = arith.constant 15 : i32
          %add3A_437 = arith.addi %mul3A_141, %add3A_436 : i32
          %get3A_438 = arith.index_cast %add3A_437 : i32 to index
          %get3A_439 = arith.constant 16 : index
          %get3A_440 = tpu.vector_load %arg7[%get3A_438, %get3A_439] {strides = array<i32>} : memref<256x32xf32, #tpu.memory_space<vmem>>, vector<16xf32>,
          %add3A_441 = arith.constant 16 : i32
          %add3A_442 = vector.broadcast %add3A_441 : i32 to vector<16xi32>
          %add3A_443 = arith.addi %add3A_430, %add3A_442 : vector<16xi32>
          tpu.vector_store_idx %arg10[%add3A_443], %get3A_440 {add = true} : memref<32768xf32, #tpu.memory_space<vmem>>[vector<16xi32>], vector<16xf32>,
        }
        %scan3A_136 = arith.constant 16 : i32
      } else {
      }
    }
    %scan3A_58 = arith.constant 25 : i32
    %eq3A_59 = arith.constant 0 : i32
    %eq3A_60 = arith.cmpi eq, %select_n3A, %eq3A_59 : i32
    %convert_element_type3A_61 = arith.extui %eq3A_60 : i1 to i32
    %cond3A_62 = arith.constant 0 : i32
    %cond3A_63 = arith.cmpi ne, %convert_element_type3A_61, %cond3A_62 : i32
    scf.if %cond3A_63 {
      %dma_start3A = arith.constant 0 : i32
      %dma_start3A_74 = arith.constant 0 : i32
      %dma_start3A_75 = tpu.memref_slice %arg6[%dma_start3A, %dma_start3A_74] : memref<256x32xf32, #tpu.memory_space<vmem>> -> memref<160x32xf32, #tpu.memory_space<vmem>>
      %dma_start3A_76 = arith.constant 99840 : i32
      %dma_start3A_77 = arith.constant 0 : i32
      %dma_start3A_78 = tpu.memref_slice %arg2[%dma_start3A_76, %select_n3A_30, %dma_start3A_77] : memref<100000x4x32xf32, #tpu.memory_space<hbm>> -> memref<160x1x32xf32, #tpu.memory_space<hbm>>
      %dma_start3A_79 = tpu.memref_squeeze %dma_start3A_78 : memref<160x1x32xf32, #tpu.memory_space<hbm>> -> memref<160x32xf32, #tpu.memory_space<hbm>>
      %dma_start3A_80 = arith.constant 0 : i32
      %dma_start3A_81 = arith.constant 0 : i32
      %dma_start3A_82 = tpu.memref_slice %arg6[%dma_start3A_80, %dma_start3A_81] : memref<256x32xf32, #tpu.memory_space<vmem>> -> memref<160x32xf32, #tpu.memory_space<vmem>>
      %dma_start3A_83 = arith.constant 99840 : i32
      %dma_start3A_84 = arith.constant 0 : i32
      %dma_start3A_85 = tpu.memref_slice %arg2[%dma_start3A_83, %select_n3A_30, %dma_start3A_84] : memref<100000x4x32xf32, #tpu.memory_space<hbm>> -> memref<160x1x32xf32, #tpu.memory_space<hbm>>
      %dma_start3A_86 = tpu.memref_squeeze %dma_start3A_85 : memref<160x1x32xf32, #tpu.memory_space<hbm>> -> memref<160x32xf32, #tpu.memory_space<hbm>>
      tpu.enqueue_dma source(%dma_start3A_86 : memref<160x32xf32, #tpu.memory_space<hbm>>) target(%dma_start3A_82 : memref<160x32xf32, #tpu.memory_space<vmem>>) target_semaphore(%arg12 : memref<!tpu.dma_semaphore, #tpu.memory_space<semaphore_mem>>)
      %dma_start3A_87 = arith.constant 0 : i32
      %dma_start3A_88 = arith.constant 0 : i32
      %dma_start3A_89 = tpu.memref_slice %arg8[%dma_start3A_87, %dma_start3A_88] : memref<16x16xi32, #tpu.memory_space<vmem>> -> memref<10x16xi32, #tpu.memory_space<vmem>>
      %dma_start3A_90 = arith.constant 6240 : i32
      %dma_start3A_91 = arith.constant 0 : i32
      %dma_start3A_92 = tpu.memref_slice %arg3[%dma_start3A_90, %dma_start3A_91] : memref<6250x16xi32, #tpu.memory_space<hbm>> -> memref<10x16xi32, #tpu.memory_space<hbm>>
      %dma_start3A_93 = arith.constant 0 : i32
      %dma_start3A_94 = arith.constant 0 : i32
      %dma_start3A_95 = tpu.memref_slice %arg8[%dma_start3A_93, %dma_start3A_94] : memref<16x16xi32, #tpu.memory_space<vmem>> -> memref<10x16xi32, #tpu.memory_space<vmem>>
      %dma_start3A_96 = arith.constant 6240 : i32
      %dma_start3A_97 = arith.constant 0 : i32
      %dma_start3A_98 = tpu.memref_slice %arg3[%dma_start3A_96, %dma_start3A_97] : memref<6250x16xi32, #tpu.memory_space<hbm>> -> memref<10x16xi32, #tpu.memory_space<hbm>>
      tpu.enqueue_dma source(%dma_start3A_98 : memref<10x16xi32, #tpu.memory_space<hbm>>) target(%dma_start3A_95 : memref<10x16xi32, #tpu.memory_space<vmem>>) target_semaphore(%arg12 : memref<!tpu.dma_semaphore, #tpu.memory_space<semaphore_mem>>)
    } else {
    }
    %eq3A_64 = arith.constant 0 : i32
    %eq3A_65 = arith.cmpi eq, %select_n3A, %eq3A_64 : i32
    %convert_element_type3A_66 = arith.extui %eq3A_65 : i1 to i32
    %cond3A_67 = arith.constant 0 : i32
    %cond3A_68 = arith.cmpi ne, %convert_element_type3A_66, %cond3A_67 : i32
    scf.if %cond3A_68 {
      %dma_wait3A = arith.constant 0 : i32
      %dma_wait3A_74 = arith.constant 0 : i32
      %dma_wait3A_75 = tpu.memref_slice %arg6[%dma_wait3A, %dma_wait3A_74] : memref<256x32xf32, #tpu.memory_space<vmem>> -> memref<160x32xf32, #tpu.memory_space<vmem>>
      %dma_wait3A_76 = arith.constant 99840 : i32
      %dma_wait3A_77 = arith.constant 0 : i32
      %dma_wait3A_78 = tpu.memref_slice %arg2[%dma_wait3A_76, %select_n3A_30, %dma_wait3A_77] : memref<100000x4x32xf32, #tpu.memory_space<hbm>> -> memref<160x1x32xf32, #tpu.memory_space<hbm>>
      %dma_wait3A_79 = tpu.memref_squeeze %dma_wait3A_78 : memref<160x1x32xf32, #tpu.memory_space<hbm>> -> memref<160x32xf32, #tpu.memory_space<hbm>>
      %dma_wait3A_80 = arith.constant 0 : i32
      %dma_wait3A_81 = arith.constant 0 : i32
      %dma_wait3A_82 = tpu.memref_slice %arg6[%dma_wait3A_80, %dma_wait3A_81] : memref<256x32xf32, #tpu.memory_space<vmem>> -> memref<160x32xf32, #tpu.memory_space<vmem>>
      %dma_wait3A_83 = arith.constant 99840 : i32
      %dma_wait3A_84 = arith.constant 0 : i32
      %dma_wait3A_85 = tpu.memref_slice %arg2[%dma_wait3A_83, %select_n3A_30, %dma_wait3A_84] : memref<100000x4x32xf32, #tpu.memory_space<hbm>> -> memref<160x1x32xf32, #tpu.memory_space<hbm>>
      %dma_wait3A_86 = tpu.memref_squeeze %dma_wait3A_85 : memref<160x1x32xf32, #tpu.memory_space<hbm>> -> memref<160x32xf32, #tpu.memory_space<hbm>>
      tpu.wait_dma2 semaphore(%arg12 : memref<!tpu.dma_semaphore, #tpu.memory_space<semaphore_mem>>) src(%dma_wait3A_86 : memref<160x32xf32, #tpu.memory_space<hbm>>) dst(%dma_wait3A_82 : memref<160x32xf32, #tpu.memory_space<vmem>>)
      %dma_wait3A_87 = arith.constant 0 : i32
      %dma_wait3A_88 = arith.constant 0 : i32
      %dma_wait3A_89 = tpu.memref_slice %arg8[%dma_wait3A_87, %dma_wait3A_88] : memref<16x16xi32, #tpu.memory_space<vmem>> -> memref<10x16xi32, #tpu.memory_space<vmem>>
      %dma_wait3A_90 = arith.constant 6240 : i32
      %dma_wait3A_91 = arith.constant 0 : i32
      %dma_wait3A_92 = tpu.memref_slice %arg3[%dma_wait3A_90, %dma_wait3A_91] : memref<6250x16xi32, #tpu.memory_space<hbm>> -> memref<10x16xi32, #tpu.memory_space<hbm>>
      %dma_wait3A_93 = arith.constant 0 : i32
      %dma_wait3A_94 = arith.constant 0 : i32
      %dma_wait3A_95 = tpu.memref_slice %arg8[%dma_wait3A_93, %dma_wait3A_94] : memref<16x16xi32, #tpu.memory_space<vmem>> -> memref<10x16xi32, #tpu.memory_space<vmem>>
      %dma_wait3A_96 = arith.constant 6240 : i32
      %dma_wait3A_97 = arith.constant 0 : i32
      %dma_wait3A_98 = tpu.memref_slice %arg3[%dma_wait3A_96, %dma_wait3A_97] : memref<6250x16xi32, #tpu.memory_space<hbm>> -> memref<10x16xi32, #tpu.memory_space<hbm>>
      tpu.wait_dma2 semaphore(%arg12 : memref<!tpu.dma_semaphore, #tpu.memory_space<semaphore_mem>>) src(%dma_wait3A_98 : memref<10x16xi32, #tpu.memory_space<hbm>>) dst(%dma_wait3A_95 : memref<10x16xi32, #tpu.memory_space<vmem>>)
      %scan3A_99 = arith.constant 0 : i32
      %scan3A_100 = arith.constant 0 : i32
      %scan3A_101 = arith.constant 10 : i32
      %scan3A_102 = arith.addi %scan3A_100, %scan3A_101 : i32
      %scan3A_103 = arith.constant 1 : i32
      scf.for %scan3A_105 = %scan3A_100 to %scan3A_102 step %scan3A_103  : i32 {
        %get3A = arith.index_cast %scan3A_105 : i32 to index
        %get3A_106 = arith.constant 0 : index
        %get3A_107 = tpu.vector_load %arg8[%get3A, %get3A_106] {strides = array<i32>} : memref<16x16xi32, #tpu.memory_space<vmem>>, vector<16xi32>,
        tpu.vector_store_idx %arg11[%get3A_107], %broadcast_in_dim3A_33 masked %broadcast_in_dim3A_36 {add = true} : memref<1024xf32, #tpu.memory_space<vmem>>[vector<16xi32>], vector<16xf32>, vector<16xi1>
        %mul3A_108 = arith.constant 16 : i32
        %mul3A_109 = arith.muli %scan3A_105, %mul3A_108 : i32
        %slice3A = vector.extract_strided_slice %get3A_107 {offsets = [0], sizes = [1], strides = [1]} : vector<16xi32> to vector<1xi32>
        %squeeze3A = vector.extract %slice3A[0] : i32 from vector<1xi32>
        %mul3A_110 = arith.constant 32 : i32
        %mul3A_111 = arith.muli %squeeze3A, %mul3A_110 : i32
        %add3A_112 = vector.broadcast %mul3A_111 : i32 to vector<16xi32>
        %add3A_113 = arith.addi %iota3A, %add3A_112 : vector<16xi32>
        %add3A_114 = arith.constant 0 : i32
        %add3A_115 = arith.addi %mul3A_109, %add3A_114 : i32
        %get3A_116 = arith.index_cast %add3A_115 : i32 to index
        %get3A_117 = arith.constant 0 : index
        %get3A_118 = tpu.vector_load %arg6[%get3A_116, %get3A_117] {strides = array<i32>} : memref<256x32xf32, #tpu.memory_space<vmem>>, vector<16xf32>,
        tpu.vector_store_idx %arg10[%add3A_113], %get3A_118 {add = true} : memref<32768xf32, #tpu.memory_space<vmem>>[vector<16xi32>], vector<16xf32>,
        %add3A_119 = arith.constant 0 : i32
        %add3A_120 = arith.addi %mul3A_109, %add3A_119 : i32
        %get3A_121 = arith.index_cast %add3A_120 : i32 to index
        %get3A_122 = arith.constant 16 : index
        %get3A_123 = tpu.vector_load %arg6[%get3A_121, %get3A_122] {strides = array<i32>} : memref<256x32xf32, #tpu.memory_space<vmem>>, vector<16xf32>,
        %add3A_124 = arith.constant 16 : i32
        %add3A_125 = vector.broadcast %add3A_124 : i32 to vector<16xi32>
        %add3A_126 = arith.addi %add3A_113, %add3A_125 : vector<16xi32>
        tpu.vector_store_idx %arg10[%add3A_126], %get3A_123 {add = true} : memref<32768xf32, #tpu.memory_space<vmem>>[vector<16xi32>], vector<16xf32>,
        %slice3A_127 = vector.extract_strided_slice %get3A_107 {offsets = [1], sizes = [1], strides = [1]} : vector<16xi32> to vector<1xi32>
        %squeeze3A_128 = vector.extract %slice3A_127[0] : i32 from vector<1xi32>
        %mul3A_129 = arith.constant 32 : i32
        %mul3A_130 = arith.muli %squeeze3A_128, %mul3A_129 : i32
        %add3A_131 = vector.broadcast %mul3A_130 : i32 to vector<16xi32>
        %add3A_132 = arith.addi %iota3A, %add3A_131 : vector<16xi32>
        %add3A_133 = arith.constant 1 : i32
        %add3A_134 = arith.addi %mul3A_109, %add3A_133 : i32
        %get3A_135 = arith.index_cast %add3A_134 : i32 to index
        %get3A_136 = arith.constant 0 : index
        %get3A_137 = tpu.vector_load %arg6[%get3A_135, %get3A_136] {strides = array<i32>} : memref<256x32xf32, #tpu.memory_space<vmem>>, vector<16xf32>,
        tpu.vector_store_idx %arg10[%add3A_132], %get3A_137 {add = true} : memref<32768xf32, #tpu.memory_space<vmem>>[vector<16xi32>], vector<16xf32>,
        %add3A_138 = arith.constant 1 : i32
        %add3A_139 = arith.addi %mul3A_109, %add3A_138 : i32
        %get3A_140 = arith.index_cast %add3A_139 : i32 to index
        %get3A_141 = arith.constant 16 : index
        %get3A_142 = tpu.vector_load %arg6[%get3A_140, %get3A_141] {strides = array<i32>} : memref<256x32xf32, #tpu.memory_space<vmem>>, vector<16xf32>,
        %add3A_143 = arith.constant 16 : i32
        %add3A_144 = vector.broadcast %add3A_143 : i32 to vector<16xi32>
        %add3A_145 = arith.addi %add3A_132, %add3A_144 : vector<16xi32>
        tpu.vector_store_idx %arg10[%add3A_145], %get3A_142 {add = true} : memref<32768xf32, #tpu.memory_space<vmem>>[vector<16xi32>], vector<16xf32>,
        %slice3A_146 = vector.extract_strided_slice %get3A_107 {offsets = [2], sizes = [1], strides = [1]} : vector<16xi32> to vector<1xi32>
        %squeeze3A_147 = vector.extract %slice3A_146[0] : i32 from vector<1xi32>
        %mul3A_148 = arith.constant 32 : i32
        %mul3A_149 = arith.muli %squeeze3A_147, %mul3A_148 : i32
        %add3A_150 = vector.broadcast %mul3A_149 : i32 to vector<16xi32>
        %add3A_151 = arith.addi %iota3A, %add3A_150 : vector<16xi32>
        %add3A_152 = arith.constant 2 : i32
        %add3A_153 = arith.addi %mul3A_109, %add3A_152 : i32
        %get3A_154 = arith.index_cast %add3A_153 : i32 to index
        %get3A_155 = arith.constant 0 : index
        %get3A_156 = tpu.vector_load %arg6[%get3A_154, %get3A_155] {strides = array<i32>} : memref<256x32xf32, #tpu.memory_space<vmem>>, vector<16xf32>,
        tpu.vector_store_idx %arg10[%add3A_151], %get3A_156 {add = true} : memref<32768xf32, #tpu.memory_space<vmem>>[vector<16xi32>], vector<16xf32>,
        %add3A_157 = arith.constant 2 : i32
        %add3A_158 = arith.addi %mul3A_109, %add3A_157 : i32
        %get3A_159 = arith.index_cast %add3A_158 : i32 to index
        %get3A_160 = arith.constant 16 : index
        %get3A_161 = tpu.vector_load %arg6[%get3A_159, %get3A_160] {strides = array<i32>} : memref<256x32xf32, #tpu.memory_space<vmem>>, vector<16xf32>,
        %add3A_162 = arith.constant 16 : i32
        %add3A_163 = vector.broadcast %add3A_162 : i32 to vector<16xi32>
        %add3A_164 = arith.addi %add3A_151, %add3A_163 : vector<16xi32>
        tpu.vector_store_idx %arg10[%add3A_164], %get3A_161 {add = true} : memref<32768xf32, #tpu.memory_space<vmem>>[vector<16xi32>], vector<16xf32>,
        %slice3A_165 = vector.extract_strided_slice %get3A_107 {offsets = [3], sizes = [1], strides = [1]} : vector<16xi32> to vector<1xi32>
        %squeeze3A_166 = vector.extract %slice3A_165[0] : i32 from vector<1xi32>
        %mul3A_167 = arith.constant 32 : i32
        %mul3A_168 = arith.muli %squeeze3A_166, %mul3A_167 : i32
        %add3A_169 = vector.broadcast %mul3A_168 : i32 to vector<16xi32>
        %add3A_170 = arith.addi %iota3A, %add3A_169 : vector<16xi32>
        %add3A_171 = arith.constant 3 : i32
        %add3A_172 = arith.addi %mul3A_109, %add3A_171 : i32
        %get3A_173 = arith.index_cast %add3A_172 : i32 to index
        %get3A_174 = arith.constant 0 : index
        %get3A_175 = tpu.vector_load %arg6[%get3A_173, %get3A_174] {strides = array<i32>} : memref<256x32xf32, #tpu.memory_space<vmem>>, vector<16xf32>,
        tpu.vector_store_idx %arg10[%add3A_170], %get3A_175 {add = true} : memref<32768xf32, #tpu.memory_space<vmem>>[vector<16xi32>], vector<16xf32>,
        %add3A_176 = arith.constant 3 : i32
        %add3A_177 = arith.addi %mul3A_109, %add3A_176 : i32
        %get3A_178 = arith.index_cast %add3A_177 : i32 to index
        %get3A_179 = arith.constant 16 : index
        %get3A_180 = tpu.vector_load %arg6[%get3A_178, %get3A_179] {strides = array<i32>} : memref<256x32xf32, #tpu.memory_space<vmem>>, vector<16xf32>,
        %add3A_181 = arith.constant 16 : i32
        %add3A_182 = vector.broadcast %add3A_181 : i32 to vector<16xi32>
        %add3A_183 = arith.addi %add3A_170, %add3A_182 : vector<16xi32>
        tpu.vector_store_idx %arg10[%add3A_183], %get3A_180 {add = true} : memref<32768xf32, #tpu.memory_space<vmem>>[vector<16xi32>], vector<16xf32>,
        %slice3A_184 = vector.extract_strided_slice %get3A_107 {offsets = [4], sizes = [1], strides = [1]} : vector<16xi32> to vector<1xi32>
        %squeeze3A_185 = vector.extract %slice3A_184[0] : i32 from vector<1xi32>
        %mul3A_186 = arith.constant 32 : i32
        %mul3A_187 = arith.muli %squeeze3A_185, %mul3A_186 : i32
        %add3A_188 = vector.broadcast %mul3A_187 : i32 to vector<16xi32>
        %add3A_189 = arith.addi %iota3A, %add3A_188 : vector<16xi32>
        %add3A_190 = arith.constant 4 : i32
        %add3A_191 = arith.addi %mul3A_109, %add3A_190 : i32
        %get3A_192 = arith.index_cast %add3A_191 : i32 to index
        %get3A_193 = arith.constant 0 : index
        %get3A_194 = tpu.vector_load %arg6[%get3A_192, %get3A_193] {strides = array<i32>} : memref<256x32xf32, #tpu.memory_space<vmem>>, vector<16xf32>,
        tpu.vector_store_idx %arg10[%add3A_189], %get3A_194 {add = true} : memref<32768xf32, #tpu.memory_space<vmem>>[vector<16xi32>], vector<16xf32>,
        %add3A_195 = arith.constant 4 : i32
        %add3A_196 = arith.addi %mul3A_109, %add3A_195 : i32
        %get3A_197 = arith.index_cast %add3A_196 : i32 to index
        %get3A_198 = arith.constant 16 : index
        %get3A_199 = tpu.vector_load %arg6[%get3A_197, %get3A_198] {strides = array<i32>} : memref<256x32xf32, #tpu.memory_space<vmem>>, vector<16xf32>,
        %add3A_200 = arith.constant 16 : i32
        %add3A_201 = vector.broadcast %add3A_200 : i32 to vector<16xi32>
        %add3A_202 = arith.addi %add3A_189, %add3A_201 : vector<16xi32>
        tpu.vector_store_idx %arg10[%add3A_202], %get3A_199 {add = true} : memref<32768xf32, #tpu.memory_space<vmem>>[vector<16xi32>], vector<16xf32>,
        %slice3A_203 = vector.extract_strided_slice %get3A_107 {offsets = [5], sizes = [1], strides = [1]} : vector<16xi32> to vector<1xi32>
        %squeeze3A_204 = vector.extract %slice3A_203[0] : i32 from vector<1xi32>
        %mul3A_205 = arith.constant 32 : i32
        %mul3A_206 = arith.muli %squeeze3A_204, %mul3A_205 : i32
        %add3A_207 = vector.broadcast %mul3A_206 : i32 to vector<16xi32>
        %add3A_208 = arith.addi %iota3A, %add3A_207 : vector<16xi32>
        %add3A_209 = arith.constant 5 : i32
        %add3A_210 = arith.addi %mul3A_109, %add3A_209 : i32
        %get3A_211 = arith.index_cast %add3A_210 : i32 to index
        %get3A_212 = arith.constant 0 : index
        %get3A_213 = tpu.vector_load %arg6[%get3A_211, %get3A_212] {strides = array<i32>} : memref<256x32xf32, #tpu.memory_space<vmem>>, vector<16xf32>,
        tpu.vector_store_idx %arg10[%add3A_208], %get3A_213 {add = true} : memref<32768xf32, #tpu.memory_space<vmem>>[vector<16xi32>], vector<16xf32>,
        %add3A_214 = arith.constant 5 : i32
        %add3A_215 = arith.addi %mul3A_109, %add3A_214 : i32
        %get3A_216 = arith.index_cast %add3A_215 : i32 to index
        %get3A_217 = arith.constant 16 : index
        %get3A_218 = tpu.vector_load %arg6[%get3A_216, %get3A_217] {strides = array<i32>} : memref<256x32xf32, #tpu.memory_space<vmem>>, vector<16xf32>,
        %add3A_219 = arith.constant 16 : i32
        %add3A_220 = vector.broadcast %add3A_219 : i32 to vector<16xi32>
        %add3A_221 = arith.addi %add3A_208, %add3A_220 : vector<16xi32>
        tpu.vector_store_idx %arg10[%add3A_221], %get3A_218 {add = true} : memref<32768xf32, #tpu.memory_space<vmem>>[vector<16xi32>], vector<16xf32>,
        %slice3A_222 = vector.extract_strided_slice %get3A_107 {offsets = [6], sizes = [1], strides = [1]} : vector<16xi32> to vector<1xi32>
        %squeeze3A_223 = vector.extract %slice3A_222[0] : i32 from vector<1xi32>
        %mul3A_224 = arith.constant 32 : i32
        %mul3A_225 = arith.muli %squeeze3A_223, %mul3A_224 : i32
        %add3A_226 = vector.broadcast %mul3A_225 : i32 to vector<16xi32>
        %add3A_227 = arith.addi %iota3A, %add3A_226 : vector<16xi32>
        %add3A_228 = arith.constant 6 : i32
        %add3A_229 = arith.addi %mul3A_109, %add3A_228 : i32
        %get3A_230 = arith.index_cast %add3A_229 : i32 to index
        %get3A_231 = arith.constant 0 : index
        %get3A_232 = tpu.vector_load %arg6[%get3A_230, %get3A_231] {strides = array<i32>} : memref<256x32xf32, #tpu.memory_space<vmem>>, vector<16xf32>,
        tpu.vector_store_idx %arg10[%add3A_227], %get3A_232 {add = true} : memref<32768xf32, #tpu.memory_space<vmem>>[vector<16xi32>], vector<16xf32>,
        %add3A_233 = arith.constant 6 : i32
        %add3A_234 = arith.addi %mul3A_109, %add3A_233 : i32
        %get3A_235 = arith.index_cast %add3A_234 : i32 to index
        %get3A_236 = arith.constant 16 : index
        %get3A_237 = tpu.vector_load %arg6[%get3A_235, %get3A_236] {strides = array<i32>} : memref<256x32xf32, #tpu.memory_space<vmem>>, vector<16xf32>,
        %add3A_238 = arith.constant 16 : i32
        %add3A_239 = vector.broadcast %add3A_238 : i32 to vector<16xi32>
        %add3A_240 = arith.addi %add3A_227, %add3A_239 : vector<16xi32>
        tpu.vector_store_idx %arg10[%add3A_240], %get3A_237 {add = true} : memref<32768xf32, #tpu.memory_space<vmem>>[vector<16xi32>], vector<16xf32>,
        %slice3A_241 = vector.extract_strided_slice %get3A_107 {offsets = [7], sizes = [1], strides = [1]} : vector<16xi32> to vector<1xi32>
        %squeeze3A_242 = vector.extract %slice3A_241[0] : i32 from vector<1xi32>
        %mul3A_243 = arith.constant 32 : i32
        %mul3A_244 = arith.muli %squeeze3A_242, %mul3A_243 : i32
        %add3A_245 = vector.broadcast %mul3A_244 : i32 to vector<16xi32>
        %add3A_246 = arith.addi %iota3A, %add3A_245 : vector<16xi32>
        %add3A_247 = arith.constant 7 : i32
        %add3A_248 = arith.addi %mul3A_109, %add3A_247 : i32
        %get3A_249 = arith.index_cast %add3A_248 : i32 to index
        %get3A_250 = arith.constant 0 : index
        %get3A_251 = tpu.vector_load %arg6[%get3A_249, %get3A_250] {strides = array<i32>} : memref<256x32xf32, #tpu.memory_space<vmem>>, vector<16xf32>,
        tpu.vector_store_idx %arg10[%add3A_246], %get3A_251 {add = true} : memref<32768xf32, #tpu.memory_space<vmem>>[vector<16xi32>], vector<16xf32>,
        %add3A_252 = arith.constant 7 : i32
        %add3A_253 = arith.addi %mul3A_109, %add3A_252 : i32
        %get3A_254 = arith.index_cast %add3A_253 : i32 to index
        %get3A_255 = arith.constant 16 : index
        %get3A_256 = tpu.vector_load %arg6[%get3A_254, %get3A_255] {strides = array<i32>} : memref<256x32xf32, #tpu.memory_space<vmem>>, vector<16xf32>,
        %add3A_257 = arith.constant 16 : i32
        %add3A_258 = vector.broadcast %add3A_257 : i32 to vector<16xi32>
        %add3A_259 = arith.addi %add3A_246, %add3A_258 : vector<16xi32>
        tpu.vector_store_idx %arg10[%add3A_259], %get3A_256 {add = true} : memref<32768xf32, #tpu.memory_space<vmem>>[vector<16xi32>], vector<16xf32>,
        %slice3A_260 = vector.extract_strided_slice %get3A_107 {offsets = [8], sizes = [1], strides = [1]} : vector<16xi32> to vector<1xi32>
        %squeeze3A_261 = vector.extract %slice3A_260[0] : i32 from vector<1xi32>
        %mul3A_262 = arith.constant 32 : i32
        %mul3A_263 = arith.muli %squeeze3A_261, %mul3A_262 : i32
        %add3A_264 = vector.broadcast %mul3A_263 : i32 to vector<16xi32>
        %add3A_265 = arith.addi %iota3A, %add3A_264 : vector<16xi32>
        %add3A_266 = arith.constant 8 : i32
        %add3A_267 = arith.addi %mul3A_109, %add3A_266 : i32
        %get3A_268 = arith.index_cast %add3A_267 : i32 to index
        %get3A_269 = arith.constant 0 : index
        %get3A_270 = tpu.vector_load %arg6[%get3A_268, %get3A_269] {strides = array<i32>} : memref<256x32xf32, #tpu.memory_space<vmem>>, vector<16xf32>,
        tpu.vector_store_idx %arg10[%add3A_265], %get3A_270 {add = true} : memref<32768xf32, #tpu.memory_space<vmem>>[vector<16xi32>], vector<16xf32>,
        %add3A_271 = arith.constant 8 : i32
        %add3A_272 = arith.addi %mul3A_109, %add3A_271 : i32
        %get3A_273 = arith.index_cast %add3A_272 : i32 to index
        %get3A_274 = arith.constant 16 : index
        %get3A_275 = tpu.vector_load %arg6[%get3A_273, %get3A_274] {strides = array<i32>} : memref<256x32xf32, #tpu.memory_space<vmem>>, vector<16xf32>,
        %add3A_276 = arith.constant 16 : i32
        %add3A_277 = vector.broadcast %add3A_276 : i32 to vector<16xi32>
        %add3A_278 = arith.addi %add3A_265, %add3A_277 : vector<16xi32>
        tpu.vector_store_idx %arg10[%add3A_278], %get3A_275 {add = true} : memref<32768xf32, #tpu.memory_space<vmem>>[vector<16xi32>], vector<16xf32>,
        %slice3A_279 = vector.extract_strided_slice %get3A_107 {offsets = [9], sizes = [1], strides = [1]} : vector<16xi32> to vector<1xi32>
        %squeeze3A_280 = vector.extract %slice3A_279[0] : i32 from vector<1xi32>
        %mul3A_281 = arith.constant 32 : i32
        %mul3A_282 = arith.muli %squeeze3A_280, %mul3A_281 : i32
        %add3A_283 = vector.broadcast %mul3A_282 : i32 to vector<16xi32>
        %add3A_284 = arith.addi %iota3A, %add3A_283 : vector<16xi32>
        %add3A_285 = arith.constant 9 : i32
        %add3A_286 = arith.addi %mul3A_109, %add3A_285 : i32
        %get3A_287 = arith.index_cast %add3A_286 : i32 to index
        %get3A_288 = arith.constant 0 : index
        %get3A_289 = tpu.vector_load %arg6[%get3A_287, %get3A_288] {strides = array<i32>} : memref<256x32xf32, #tpu.memory_space<vmem>>, vector<16xf32>,
        tpu.vector_store_idx %arg10[%add3A_284], %get3A_289 {add = true} : memref<32768xf32, #tpu.memory_space<vmem>>[vector<16xi32>], vector<16xf32>,
        %add3A_290 = arith.constant 9 : i32
        %add3A_291 = arith.addi %mul3A_109, %add3A_290 : i32
        %get3A_292 = arith.index_cast %add3A_291 : i32 to index
        %get3A_293 = arith.constant 16 : index
        %get3A_294 = tpu.vector_load %arg6[%get3A_292, %get3A_293] {strides = array<i32>} : memref<256x32xf32, #tpu.memory_space<vmem>>, vector<16xf32>,
        %add3A_295 = arith.constant 16 : i32
        %add3A_296 = vector.broadcast %add3A_295 : i32 to vector<16xi32>
        %add3A_297 = arith.addi %add3A_284, %add3A_296 : vector<16xi32>
        tpu.vector_store_idx %arg10[%add3A_297], %get3A_294 {add = true} : memref<32768xf32, #tpu.memory_space<vmem>>[vector<16xi32>], vector<16xf32>,
        %slice3A_298 = vector.extract_strided_slice %get3A_107 {offsets = [10], sizes = [1], strides = [1]} : vector<16xi32> to vector<1xi32>
        %squeeze3A_299 = vector.extract %slice3A_298[0] : i32 from vector<1xi32>
        %mul3A_300 = arith.constant 32 : i32
        %mul3A_301 = arith.muli %squeeze3A_299, %mul3A_300 : i32
        %add3A_302 = vector.broadcast %mul3A_301 : i32 to vector<16xi32>
        %add3A_303 = arith.addi %iota3A, %add3A_302 : vector<16xi32>
        %add3A_304 = arith.constant 10 : i32
        %add3A_305 = arith.addi %mul3A_109, %add3A_304 : i32
        %get3A_306 = arith.index_cast %add3A_305 : i32 to index
        %get3A_307 = arith.constant 0 : index
        %get3A_308 = tpu.vector_load %arg6[%get3A_306, %get3A_307] {strides = array<i32>} : memref<256x32xf32, #tpu.memory_space<vmem>>, vector<16xf32>,
        tpu.vector_store_idx %arg10[%add3A_303], %get3A_308 {add = true} : memref<32768xf32, #tpu.memory_space<vmem>>[vector<16xi32>], vector<16xf32>,
        %add3A_309 = arith.constant 10 : i32
        %add3A_310 = arith.addi %mul3A_109, %add3A_309 : i32
        %get3A_311 = arith.index_cast %add3A_310 : i32 to index
        %get3A_312 = arith.constant 16 : index
        %get3A_313 = tpu.vector_load %arg6[%get3A_311, %get3A_312] {strides = array<i32>} : memref<256x32xf32, #tpu.memory_space<vmem>>, vector<16xf32>,
        %add3A_314 = arith.constant 16 : i32
        %add3A_315 = vector.broadcast %add3A_314 : i32 to vector<16xi32>
        %add3A_316 = arith.addi %add3A_303, %add3A_315 : vector<16xi32>
        tpu.vector_store_idx %arg10[%add3A_316], %get3A_313 {add = true} : memref<32768xf32, #tpu.memory_space<vmem>>[vector<16xi32>], vector<16xf32>,
        %slice3A_317 = vector.extract_strided_slice %get3A_107 {offsets = [11], sizes = [1], strides = [1]} : vector<16xi32> to vector<1xi32>
        %squeeze3A_318 = vector.extract %slice3A_317[0] : i32 from vector<1xi32>
        %mul3A_319 = arith.constant 32 : i32
        %mul3A_320 = arith.muli %squeeze3A_318, %mul3A_319 : i32
        %add3A_321 = vector.broadcast %mul3A_320 : i32 to vector<16xi32>
        %add3A_322 = arith.addi %iota3A, %add3A_321 : vector<16xi32>
        %add3A_323 = arith.constant 11 : i32
        %add3A_324 = arith.addi %mul3A_109, %add3A_323 : i32
        %get3A_325 = arith.index_cast %add3A_324 : i32 to index
        %get3A_326 = arith.constant 0 : index
        %get3A_327 = tpu.vector_load %arg6[%get3A_325, %get3A_326] {strides = array<i32>} : memref<256x32xf32, #tpu.memory_space<vmem>>, vector<16xf32>,
        tpu.vector_store_idx %arg10[%add3A_322], %get3A_327 {add = true} : memref<32768xf32, #tpu.memory_space<vmem>>[vector<16xi32>], vector<16xf32>,
        %add3A_328 = arith.constant 11 : i32
        %add3A_329 = arith.addi %mul3A_109, %add3A_328 : i32
        %get3A_330 = arith.index_cast %add3A_329 : i32 to index
        %get3A_331 = arith.constant 16 : index
        %get3A_332 = tpu.vector_load %arg6[%get3A_330, %get3A_331] {strides = array<i32>} : memref<256x32xf32, #tpu.memory_space<vmem>>, vector<16xf32>,
        %add3A_333 = arith.constant 16 : i32
        %add3A_334 = vector.broadcast %add3A_333 : i32 to vector<16xi32>
        %add3A_335 = arith.addi %add3A_322, %add3A_334 : vector<16xi32>
        tpu.vector_store_idx %arg10[%add3A_335], %get3A_332 {add = true} : memref<32768xf32, #tpu.memory_space<vmem>>[vector<16xi32>], vector<16xf32>,
        %slice3A_336 = vector.extract_strided_slice %get3A_107 {offsets = [12], sizes = [1], strides = [1]} : vector<16xi32> to vector<1xi32>
        %squeeze3A_337 = vector.extract %slice3A_336[0] : i32 from vector<1xi32>
        %mul3A_338 = arith.constant 32 : i32
        %mul3A_339 = arith.muli %squeeze3A_337, %mul3A_338 : i32
        %add3A_340 = vector.broadcast %mul3A_339 : i32 to vector<16xi32>
        %add3A_341 = arith.addi %iota3A, %add3A_340 : vector<16xi32>
        %add3A_342 = arith.constant 12 : i32
        %add3A_343 = arith.addi %mul3A_109, %add3A_342 : i32
        %get3A_344 = arith.index_cast %add3A_343 : i32 to index
        %get3A_345 = arith.constant 0 : index
        %get3A_346 = tpu.vector_load %arg6[%get3A_344, %get3A_345] {strides = array<i32>} : memref<256x32xf32, #tpu.memory_space<vmem>>, vector<16xf32>,
        tpu.vector_store_idx %arg10[%add3A_341], %get3A_346 {add = true} : memref<32768xf32, #tpu.memory_space<vmem>>[vector<16xi32>], vector<16xf32>,
        %add3A_347 = arith.constant 12 : i32
        %add3A_348 = arith.addi %mul3A_109, %add3A_347 : i32
        %get3A_349 = arith.index_cast %add3A_348 : i32 to index
        %get3A_350 = arith.constant 16 : index
        %get3A_351 = tpu.vector_load %arg6[%get3A_349, %get3A_350] {strides = array<i32>} : memref<256x32xf32, #tpu.memory_space<vmem>>, vector<16xf32>,
        %add3A_352 = arith.constant 16 : i32
        %add3A_353 = vector.broadcast %add3A_352 : i32 to vector<16xi32>
        %add3A_354 = arith.addi %add3A_341, %add3A_353 : vector<16xi32>
        tpu.vector_store_idx %arg10[%add3A_354], %get3A_351 {add = true} : memref<32768xf32, #tpu.memory_space<vmem>>[vector<16xi32>], vector<16xf32>,
        %slice3A_355 = vector.extract_strided_slice %get3A_107 {offsets = [13], sizes = [1], strides = [1]} : vector<16xi32> to vector<1xi32>
        %squeeze3A_356 = vector.extract %slice3A_355[0] : i32 from vector<1xi32>
        %mul3A_357 = arith.constant 32 : i32
        %mul3A_358 = arith.muli %squeeze3A_356, %mul3A_357 : i32
        %add3A_359 = vector.broadcast %mul3A_358 : i32 to vector<16xi32>
        %add3A_360 = arith.addi %iota3A, %add3A_359 : vector<16xi32>
        %add3A_361 = arith.constant 13 : i32
        %add3A_362 = arith.addi %mul3A_109, %add3A_361 : i32
        %get3A_363 = arith.index_cast %add3A_362 : i32 to index
        %get3A_364 = arith.constant 0 : index
        %get3A_365 = tpu.vector_load %arg6[%get3A_363, %get3A_364] {strides = array<i32>} : memref<256x32xf32, #tpu.memory_space<vmem>>, vector<16xf32>,
        tpu.vector_store_idx %arg10[%add3A_360], %get3A_365 {add = true} : memref<32768xf32, #tpu.memory_space<vmem>>[vector<16xi32>], vector<16xf32>,
        %add3A_366 = arith.constant 13 : i32
        %add3A_367 = arith.addi %mul3A_109, %add3A_366 : i32
        %get3A_368 = arith.index_cast %add3A_367 : i32 to index
        %get3A_369 = arith.constant 16 : index
        %get3A_370 = tpu.vector_load %arg6[%get3A_368, %get3A_369] {strides = array<i32>} : memref<256x32xf32, #tpu.memory_space<vmem>>, vector<16xf32>,
        %add3A_371 = arith.constant 16 : i32
        %add3A_372 = vector.broadcast %add3A_371 : i32 to vector<16xi32>
        %add3A_373 = arith.addi %add3A_360, %add3A_372 : vector<16xi32>
        tpu.vector_store_idx %arg10[%add3A_373], %get3A_370 {add = true} : memref<32768xf32, #tpu.memory_space<vmem>>[vector<16xi32>], vector<16xf32>,
        %slice3A_374 = vector.extract_strided_slice %get3A_107 {offsets = [14], sizes = [1], strides = [1]} : vector<16xi32> to vector<1xi32>
        %squeeze3A_375 = vector.extract %slice3A_374[0] : i32 from vector<1xi32>
        %mul3A_376 = arith.constant 32 : i32
        %mul3A_377 = arith.muli %squeeze3A_375, %mul3A_376 : i32
        %add3A_378 = vector.broadcast %mul3A_377 : i32 to vector<16xi32>
        %add3A_379 = arith.addi %iota3A, %add3A_378 : vector<16xi32>
        %add3A_380 = arith.constant 14 : i32
        %add3A_381 = arith.addi %mul3A_109, %add3A_380 : i32
        %get3A_382 = arith.index_cast %add3A_381 : i32 to index
        %get3A_383 = arith.constant 0 : index
        %get3A_384 = tpu.vector_load %arg6[%get3A_382, %get3A_383] {strides = array<i32>} : memref<256x32xf32, #tpu.memory_space<vmem>>, vector<16xf32>,
        tpu.vector_store_idx %arg10[%add3A_379], %get3A_384 {add = true} : memref<32768xf32, #tpu.memory_space<vmem>>[vector<16xi32>], vector<16xf32>,
        %add3A_385 = arith.constant 14 : i32
        %add3A_386 = arith.addi %mul3A_109, %add3A_385 : i32
        %get3A_387 = arith.index_cast %add3A_386 : i32 to index
        %get3A_388 = arith.constant 16 : index
        %get3A_389 = tpu.vector_load %arg6[%get3A_387, %get3A_388] {strides = array<i32>} : memref<256x32xf32, #tpu.memory_space<vmem>>, vector<16xf32>,
        %add3A_390 = arith.constant 16 : i32
        %add3A_391 = vector.broadcast %add3A_390 : i32 to vector<16xi32>
        %add3A_392 = arith.addi %add3A_379, %add3A_391 : vector<16xi32>
        tpu.vector_store_idx %arg10[%add3A_392], %get3A_389 {add = true} : memref<32768xf32, #tpu.memory_space<vmem>>[vector<16xi32>], vector<16xf32>,
        %slice3A_393 = vector.extract_strided_slice %get3A_107 {offsets = [15], sizes = [1], strides = [1]} : vector<16xi32> to vector<1xi32>
        %squeeze3A_394 = vector.extract %slice3A_393[0] : i32 from vector<1xi32>
        %mul3A_395 = arith.constant 32 : i32
        %mul3A_396 = arith.muli %squeeze3A_394, %mul3A_395 : i32
        %add3A_397 = vector.broadcast %mul3A_396 : i32 to vector<16xi32>
        %add3A_398 = arith.addi %iota3A, %add3A_397 : vector<16xi32>
        %add3A_399 = arith.constant 15 : i32
        %add3A_400 = arith.addi %mul3A_109, %add3A_399 : i32
        %get3A_401 = arith.index_cast %add3A_400 : i32 to index
        %get3A_402 = arith.constant 0 : index
        %get3A_403 = tpu.vector_load %arg6[%get3A_401, %get3A_402] {strides = array<i32>} : memref<256x32xf32, #tpu.memory_space<vmem>>, vector<16xf32>,
        tpu.vector_store_idx %arg10[%add3A_398], %get3A_403 {add = true} : memref<32768xf32, #tpu.memory_space<vmem>>[vector<16xi32>], vector<16xf32>,
        %add3A_404 = arith.constant 15 : i32
        %add3A_405 = arith.addi %mul3A_109, %add3A_404 : i32
        %get3A_406 = arith.index_cast %add3A_405 : i32 to index
        %get3A_407 = arith.constant 16 : index
        %get3A_408 = tpu.vector_load %arg6[%get3A_406, %get3A_407] {strides = array<i32>} : memref<256x32xf32, #tpu.memory_space<vmem>>, vector<16xf32>,
        %add3A_409 = arith.constant 16 : i32
        %add3A_410 = vector.broadcast %add3A_409 : i32 to vector<16xi32>
        %add3A_411 = arith.addi %add3A_398, %add3A_410 : vector<16xi32>
        tpu.vector_store_idx %arg10[%add3A_411], %get3A_408 {add = true} : memref<32768xf32, #tpu.memory_space<vmem>>[vector<16xi32>], vector<16xf32>,
      }
      %scan3A_104 = arith.constant 10 : i32
    } else {
    }
    "tpu.region"() ({
      %run_scoped3A = tpu.sem_alloc : memref<!tpu.dma_semaphore, #tpu.memory_space<semaphore_mem>>
      %dma_start3A = arith.constant 0 : i32
      %dma_start3A_74 = tpu.memref_slice %arg4[%select_n3A, %select_n3A_30, %dma_start3A] : memref<8x4x32768xf32, #tpu.memory_space<hbm>> -> memref<1x1x32768xf32, #tpu.memory_space<hbm>>
      %dma_start3A_75 = tpu.memref_squeeze %dma_start3A_74 : memref<1x1x32768xf32, #tpu.memory_space<hbm>> -> memref<32768xf32, #tpu.memory_space<hbm>>
      %dma_start3A_76 = arith.constant 0 : i32
      %dma_start3A_77 = tpu.memref_slice %arg4[%select_n3A, %select_n3A_30, %dma_start3A_76] : memref<8x4x32768xf32, #tpu.memory_space<hbm>> -> memref<1x1x32768xf32, #tpu.memory_space<hbm>>
      %dma_start3A_78 = tpu.memref_squeeze %dma_start3A_77 : memref<1x1x32768xf32, #tpu.memory_space<hbm>> -> memref<32768xf32, #tpu.memory_space<hbm>>
      tpu.enqueue_dma source(%arg10 : memref<32768xf32, #tpu.memory_space<vmem>>) target(%dma_start3A_78 : memref<32768xf32, #tpu.memory_space<hbm>>) target_semaphore(%run_scoped3A : memref<!tpu.dma_semaphore, #tpu.memory_space<semaphore_mem>>)
      %dma_wait3A = arith.constant 0 : i32
      %dma_wait3A_79 = tpu.memref_slice %arg4[%select_n3A, %select_n3A_30, %dma_wait3A] : memref<8x4x32768xf32, #tpu.memory_space<hbm>> -> memref<1x1x32768xf32, #tpu.memory_space<hbm>>
      %dma_wait3A_80 = tpu.memref_squeeze %dma_wait3A_79 : memref<1x1x32768xf32, #tpu.memory_space<hbm>> -> memref<32768xf32, #tpu.memory_space<hbm>>
      %dma_wait3A_81 = arith.constant 0 : i32
      %dma_wait3A_82 = tpu.memref_slice %arg4[%select_n3A, %select_n3A_30, %dma_wait3A_81] : memref<8x4x32768xf32, #tpu.memory_space<hbm>> -> memref<1x1x32768xf32, #tpu.memory_space<hbm>>
      %dma_wait3A_83 = tpu.memref_squeeze %dma_wait3A_82 : memref<1x1x32768xf32, #tpu.memory_space<hbm>> -> memref<32768xf32, #tpu.memory_space<hbm>>
      tpu.wait_dma2 semaphore(%run_scoped3A : memref<!tpu.dma_semaphore, #tpu.memory_space<semaphore_mem>>) src(%arg10 : memref<32768xf32, #tpu.memory_space<vmem>>) dst(%dma_wait3A_83 : memref<32768xf32, #tpu.memory_space<hbm>>)
      tpu.yield
    }) : () -> ()
    %eq3A_69 = arith.constant 0 : i32
    %eq3A_70 = arith.cmpi eq, %select_n3A_30, %eq3A_69 : i32
    %convert_element_type3A_71 = arith.extui %eq3A_70 : i1 to i32
    %cond3A_72 = arith.constant 0 : i32
    %cond3A_73 = arith.cmpi ne, %convert_element_type3A_71, %cond3A_72 : i32
    scf.if %cond3A_73 {
      "tpu.region"() ({
        %run_scoped3A = tpu.sem_alloc : memref<!tpu.dma_semaphore, #tpu.memory_space<semaphore_mem>>
        %dma_start3A = arith.constant 0 : i32
        %dma_start3A_74 = tpu.memref_slice %arg5[%select_n3A, %dma_start3A] : memref<8x1024xf32, #tpu.memory_space<hbm>> -> memref<1x1024xf32, #tpu.memory_space<hbm>>
        %dma_start3A_75 = tpu.memref_squeeze %dma_start3A_74 : memref<1x1024xf32, #tpu.memory_space<hbm>> -> memref<1024xf32, #tpu.memory_space<hbm>>
        %dma_start3A_76 = arith.constant 0 : i32
        %dma_start3A_77 = tpu.memref_slice %arg5[%select_n3A, %dma_start3A_76] : memref<8x1024xf32, #tpu.memory_space<hbm>> -> memref<1x1024xf32, #tpu.memory_space<hbm>>
        %dma_start3A_78 = tpu.memref_squeeze %dma_start3A_77 : memref<1x1024xf32, #tpu.memory_space<hbm>> -> memref<1024xf32, #tpu.memory_space<hbm>>
        tpu.enqueue_dma source(%arg11 : memref<1024xf32, #tpu.memory_space<vmem>>) target(%dma_start3A_78 : memref<1024xf32, #tpu.memory_space<hbm>>) target_semaphore(%run_scoped3A : memref<!tpu.dma_semaphore, #tpu.memory_space<semaphore_mem>>)
        %dma_wait3A = arith.constant 0 : i32
        %dma_wait3A_79 = tpu.memref_slice %arg5[%select_n3A, %dma_wait3A] : memref<8x1024xf32, #tpu.memory_space<hbm>> -> memref<1x1024xf32, #tpu.memory_space<hbm>>
        %dma_wait3A_80 = tpu.memref_squeeze %dma_wait3A_79 : memref<1x1024xf32, #tpu.memory_space<hbm>> -> memref<1024xf32, #tpu.memory_space<hbm>>
        %dma_wait3A_81 = arith.constant 0 : i32
        %dma_wait3A_82 = tpu.memref_slice %arg5[%select_n3A, %dma_wait3A_81] : memref<8x1024xf32, #tpu.memory_space<hbm>> -> memref<1x1024xf32, #tpu.memory_space<hbm>>
        %dma_wait3A_83 = tpu.memref_squeeze %dma_wait3A_82 : memref<1x1024xf32, #tpu.memory_space<hbm>> -> memref<1024xf32, #tpu.memory_space<hbm>>
        tpu.wait_dma2 semaphore(%run_scoped3A : memref<!tpu.dma_semaphore, #tpu.memory_space<semaphore_mem>>) src(%arg11 : memref<1024xf32, #tpu.memory_space<vmem>>) dst(%dma_wait3A_83 : memref<1024xf32, #tpu.memory_space<hbm>>)
        tpu.yield
      }) : () -> ()
    } else {
    }
    return
  }
}

module attributes {stable_mosaic.version = 14 : i64} {
  func.func @_combine_mlp_kernel(%arg0: memref<8x4x1024x32xf32, #tpu.memory_space<vmem>>, %arg1: memref<8x1024xf32, #tpu.memory_space<vmem>>, %arg2: memref<128x64xf32, #tpu.memory_space<vmem>>, %arg3: memref<1x64xf32, #tpu.memory_space<vmem>>, %arg4: memref<64x1xf32, #tpu.memory_space<vmem>>, %arg5: memref<1x1xf32, #tpu.memory_space<vmem>>, %arg6: memref<1024x1xf32, #tpu.memory_space<vmem>>) attributes {dimension_semantics = [], scalar_prefetch = 0 : i64, scratch_operands = 0 : i64, tpu.core_type = #tpu.core_type<tc>} {
    %get3A = arith.constant 0 : index
    %get3A_0 = arith.constant 0 : index
    %get3A_1 = arith.constant 0 : index
    %get3A_2 = arith.constant 0 : index
    %get3A_3 = vector.load %arg0[%get3A, %get3A_0, %get3A_1, %get3A_2] : memref<8x4x1024x32xf32, #tpu.memory_space<vmem>>, vector<8x4x1024x32xf32>
    %reduce_sum3A = arith.constant dense<0.000000e+00> : vector<4x1024x32xf32>
    %reduce_sum3A_4 = vector.multi_reduction <add>, %get3A_3, %reduce_sum3A [0] : vector<8x4x1024x32xf32> to vector<4x1024x32xf32>
    %slice3A = vector.extract_strided_slice %reduce_sum3A_4 {offsets = [0, 0, 0], sizes = [1, 1024, 32], strides = [1, 1, 1]} : vector<4x1024x32xf32> to vector<1x1024x32xf32>
    %squeeze3A = vector.shape_cast %slice3A : vector<1x1024x32xf32> to vector<1024x32xf32>
    %slice3A_5 = vector.extract_strided_slice %reduce_sum3A_4 {offsets = [1, 0, 0], sizes = [1, 1024, 32], strides = [1, 1, 1]} : vector<4x1024x32xf32> to vector<1x1024x32xf32>
    %squeeze3A_6 = vector.shape_cast %slice3A_5 : vector<1x1024x32xf32> to vector<1024x32xf32>
    %slice3A_7 = vector.extract_strided_slice %reduce_sum3A_4 {offsets = [2, 0, 0], sizes = [1, 1024, 32], strides = [1, 1, 1]} : vector<4x1024x32xf32> to vector<1x1024x32xf32>
    %squeeze3A_8 = vector.shape_cast %slice3A_7 : vector<1x1024x32xf32> to vector<1024x32xf32>
    %slice3A_9 = vector.extract_strided_slice %reduce_sum3A_4 {offsets = [3, 0, 0], sizes = [1, 1024, 32], strides = [1, 1, 1]} : vector<4x1024x32xf32> to vector<1x1024x32xf32>
    %squeeze3A_10 = vector.shape_cast %slice3A_9 : vector<1x1024x32xf32> to vector<1024x32xf32>
    %concatenate3A = tpu.concatenate %squeeze3A, %squeeze3A_6, %squeeze3A_8, %squeeze3A_10 in 1 : vector<1024x32xf32>, vector<1024x32xf32>, vector<1024x32xf32>, vector<1024x32xf32> -> vector<1024x128xf32>
    %get3A_11 = arith.constant 0 : index
    %get3A_12 = arith.constant 0 : index
    %get3A_13 = vector.load %arg1[%get3A_11, %get3A_12] : memref<8x1024xf32, #tpu.memory_space<vmem>>, vector<8x1024xf32>
    %reduce_sum3A_14 = arith.constant dense<0.000000e+00> : vector<1024xf32>
    %reduce_sum3A_15 = vector.multi_reduction <add>, %get3A_13, %reduce_sum3A_14 [0] : vector<8x1024xf32> to vector<1024xf32>
    %broadcast_in_dim3A = vector.shape_cast %reduce_sum3A_15 : vector<1024xf32> to vector<1024x1xf32>
    %max3A = arith.constant 1.000000e+00 : f32
    %max3A_16 = vector.broadcast %max3A : f32 to vector<1024x1xf32>
    %max3A_17 = arith.maximumf %broadcast_in_dim3A, %max3A_16 : vector<1024x1xf32>
    %div3A = vector.broadcast %max3A_17 : vector<1024x1xf32> to vector<1024x128xf32>
    %div3A_18 = arith.divf %concatenate3A, %div3A : vector<1024x128xf32>
    %get3A_19 = arith.constant 0 : index
    %get3A_20 = arith.constant 0 : index
    %get3A_21 = vector.load %arg2[%get3A_19, %get3A_20] : memref<128x64xf32, #tpu.memory_space<vmem>>, vector<128x64xf32>
    %dot_general3A = arith.constant dense<0.000000e+00> : vector<1024x64xf32>
    %dot_general3A_22 = tpu.matmul %div3A_18, %get3A_21, %dot_general3A {dimension_numbers = #tpu.dot_dimension_numbers<[1], [0], [0], [1], [0, 0, 1, 1], [], []>, precision = #tpu.contract_precision<fp32>, transpose_lhs_hint = false} : vector<1024x128xf32>, vector<128x64xf32>, vector<1024x64xf32> -> vector<1024x64xf32>
    %get3A_23 = arith.constant 0 : index
    %get3A_24 = arith.constant 0 : index
    %get3A_25 = vector.load %arg3[%get3A_23, %get3A_24] : memref<1x64xf32, #tpu.memory_space<vmem>>, vector<1x64xf32>
    %add3A = vector.broadcast %get3A_25 : vector<1x64xf32> to vector<1024x64xf32>
    %add3A_26 = arith.addf %dot_general3A_22, %add3A : vector<1024x64xf32>
    %gt3A = arith.constant 0.000000e+00 : f32
    %gt3A_27 = vector.broadcast %gt3A : f32 to vector<1024x64xf32>
    %gt3A_28 = arith.cmpf ogt, %add3A_26, %gt3A_27 : vector<1024x64xf32>
    %exp3A = math.exp %add3A_26 : vector<1024x64xf32>
    %sub3A = arith.constant 1.000000e+00 : f32
    %sub3A_29 = vector.broadcast %sub3A : f32 to vector<1024x64xf32>
    %sub3A_30 = arith.subf %exp3A, %sub3A_29 : vector<1024x64xf32>
    %mul3A = arith.constant 1.67326319 : f32
    %mul3A_31 = vector.broadcast %mul3A : f32 to vector<1024x64xf32>
    %mul3A_32 = arith.mulf %mul3A_31, %sub3A_30 : vector<1024x64xf32>
    %select_n3A = arith.select %gt3A_28, %add3A_26, %mul3A_32 : vector<1024x64xi1>, vector<1024x64xf32>
    %mul3A_33 = arith.constant 1.05070102 : f32
    %mul3A_34 = vector.broadcast %mul3A_33 : f32 to vector<1024x64xf32>
    %mul3A_35 = arith.mulf %mul3A_34, %select_n3A : vector<1024x64xf32>
    %get3A_36 = arith.constant 0 : index
    %get3A_37 = arith.constant 0 : index
    %get3A_38 = vector.load %arg4[%get3A_36, %get3A_37] : memref<64x1xf32, #tpu.memory_space<vmem>>, vector<64x1xf32>
    %dot_general3A_39 = arith.constant dense<0.000000e+00> : vector<1024x1xf32>
    %dot_general3A_40 = tpu.matmul %mul3A_35, %get3A_38, %dot_general3A_39 {dimension_numbers = #tpu.dot_dimension_numbers<[1], [0], [0], [1], [0, 0, 1, 1], [], []>, precision = #tpu.contract_precision<fp32>, transpose_lhs_hint = false} : vector<1024x64xf32>, vector<64x1xf32>, vector<1024x1xf32> -> vector<1024x1xf32>
    %get3A_41 = arith.constant 0 : index
    %get3A_42 = arith.constant 0 : index
    %get3A_43 = vector.load %arg5[%get3A_41, %get3A_42] : memref<1x1xf32, #tpu.memory_space<vmem>>, vector<1x1xf32>
    %add3A_44 = vector.broadcast %get3A_43 : vector<1x1xf32> to vector<1024x1xf32>
    %add3A_45 = arith.addf %dot_general3A_40, %add3A_44 : vector<1024x1xf32>
    %swap3A = arith.constant 0 : index
    %swap3A_46 = arith.constant 0 : index
    %swap3A_47 = vector.load %arg6[%swap3A, %swap3A_46] : memref<1024x1xf32, #tpu.memory_space<vmem>>, vector<1024x1xf32>
    tpu.vector_store %arg6[%swap3A, %swap3A_46], %add3A_45 {strides = array<i32>} : memref<1024x1xf32, #tpu.memory_space<vmem>>, vector<1024x1xf32>,
    return
  }
}

</mosaic_0001>

<sc_bundles>
// kernel: kernel.4.cloned.1.call-start
scs
__scs_entry_jumppad:
0x0: {  	(pc) =	sbr.rel $0x88, $3  }
0x1: {  	(tag) =	ssettag $0x0;
	lr =	simm.s32 $0x1  }
0x2: {  	[smem:$0x3F9B] =	sst lr;
	_ =	strace $0xD0000000  }
0x3: {  	_ = 	snop  }
0x4: {  	_ = 	snop  }
0x5: {  	_ = 	snop  }
0x6: {  	_ = 	snop  }
0x7: {  	_ = 	snop  }
__scs_overlays_trampoline_lowered:
0x8: {  	[smem:$0x3FAA] =	sst s0  }
0x9: {  	[smem:$0x3FAB] =	sst s1  }
0xa: {  	[smem:$0x3FAC] =	sst s2  }
0xb: {  	[smem:$0x3FAD] =	sst s3  }
0xc: {  	[smem:$0x3FAE] =	sst s4  }
0xd: {  	[smem:$0x3FAF] =	sst s5  }
0xe: {  	[smem:$0x3FB0] =	sst s6  }
0xf: {  	[smem:$0x3FB1] =	sst s7  }
0x10: {  	[smem:$0x3FB2] =	sst s8  }
0x11: {  	[smem:$0x3FB3] =	sst s9;
	s0 =	simm.s32 @!p0 $0x0  }
0x12: {  	s1 =	sld [smem:$0x3F99];
	s0 =	simm.s32 @p0 $0x1  }
0x13: {  	[smem:$0x3FB4] =	sst s0;
	s0 =	simm.s32 @!p1 $0x0  }
0x14: {  	s2 =	sld [smem:$0x3F98];
	s0 =	simm.s32 @p1 $0x1  }
0x15: {  	[smem:$0x3FB5] =	sst s0;
	s0 =	simm.s32 @!p2 $0x0  }
0x16: {  	s3 =	sld [smem:$0x3FDB];
	s0 =	simm.s32 @p2 $0x1  }
0x17: {  	s4 =	simm.s32 $0x1BF5;
	[smem:$0x3FB7] =	sst s0  }
0x18: {  	s0 =	sld [smem:$0x3F9A];
	_ =	swait.ge [sflag:s4], $0x0  }
0x19: {  	s7 =	sld [smem:$0x3F9B]  }
0x1a: {  	s8 =	sadd.s32 $0xFFFFE003, lr  }
0x1b: {  	s9 =	sadd.s32 $0xFFFFFEF7, lr;
	s5 =	simm.s32 $0xFFFFFFFF;
	p2 =	slt.u32 s8, $0xFFFFF086  }
0x1c: {  	p1 =	slt.u32 s9, $0xF7A;
	s5 =	simm.s32 @!p2 $0x0  }
0x1d: {  	s5 =	simm.s32 @p1 $0x1;
	p0 =	seq.s32 s7, s2  }
0x1e: {  	s7 =	smul.u32 @!p0 $0xF7A, s2;
	p2 =	seq.s32 @!p0 s5, $0x0  }
0x1f: {  	s9 =	smul.u32 $0xF7A, s1;
	s8 =	simm.s32 @!p0 $0x1BF5;
	p2 =	por !p2, p0  }
0x20: {  	[sflag:s8] =	ssyncset.s32 @!p0 $0xFFFFF086;
	s6 =	sadd.s32 @!p0 s3, s7;
	s7 =	simm.s32 @!p0 $0x108  }
0x21: {  	s3 =	sadd.s32 s3, s9;
	s6 =	sadd.s32 @!p0 $0x88, s6;
	s7 =	simm.s32 @p2 $0x1082  }
0x22: {  	[simem:s7], [sflag:s8] =	dma.local @!p0 [hbm:s6], $0xF7A  }
0x23: {  	s9 =	sor.u32 $0xD0000000, s2;
	s6 =	simm.s32 $0x108;
	_ =	swait.ge @!p0 [sflag:s8], $0x0  }
0x24: {  	s3 =	sadd.s32 $0x88, s3;
	s6 =	simm.s32 @!p1 $0x1082;
	[sflag:s4] =	ssyncset.s32 $0xFFFFF086  }
0x25: {  	[simem:s6], [sflag:s4] =	dma.local [hbm:s3], $0xF7A  }
0x26: {  	[smem:$0x3F9B] =	sst s1;
	(tag) =	ssettag s2;
	_ =	strace s9  }
0x27: {  	s1 =	sld [smem:$0x3FAB]  }
0x28: {  	s2 =	sld [smem:$0x3FAC]  }
0x29: {  	s4 =	sld [smem:$0x3FAE]  }
0x2a: {  	p0 =	seq.s32 s5, $0x0;
	s5 =	sld [smem:$0x3FAF]  }
0x2b: {  	s6 =	sld [smem:$0x3FB0]  }
0x2c: {  	s7 =	sld [smem:$0x3FB1]  }
0x2d: {  	s3 =	simm.s32 $0x108;
	s8 =	sld [smem:$0x3FB2]  }
0x2e: {  	s3 =	simm.s32 @!p0 $0x1082;
	s9 =	sld [smem:$0x3FB3]  }
0x2f: {  	lr =	sadd.s32 s0, s3;
	s0 =	sld [smem:$0x3FAA]  }
0x30: {  	s3 =	sld [smem:$0x3FAD]  }
0x31: {  	[smem:$0x3FB6] =	sst s10  }
0x32: {  	s10 =	sld [smem:$0x3FB4];
	_ =	sdelay $0x3  }
0x33: {  	p0 =	seq.s32 s10, $0x1;
	s10 =	sld [smem:$0x3FB6];
	_ =	sdelay $0x3  }
0x34: {  	[smem:$0x3FB6] =	sst s10  }
0x35: {  	s10 =	sld [smem:$0x3FB5];
	_ =	sdelay $0x3  }
0x36: {  	p1 =	seq.s32 s10, $0x1;
	s10 =	sld [smem:$0x3FB6];
	_ =	sdelay $0x3  }
0x37: {  	[smem:$0x3FB6] =	sst s10  }
0x38: {  	s10 =	sld [smem:$0x3FB7]  }
0x39: {  	_ = 	snop;
	(pc) =	sbr.ind lr, $3  }
0x3a: {  	_ = 	snop  }
0x3b: {  	_ = 	snop  }
0x3c: {  	p2 =	seq.s32 s10, $0x1;
	s10 =	sld [smem:$0x3FB6]  }
0x3d: {  	_ =	shalt  }
0x3e: {  	_ =	shalt  }
0x3f: {  	_ =	shalt  }
0x40: {  	_ =	shalt  }
0x41: {  	_ =	shalt  }
0x42: {  	_ =	shalt  }
0x43: {  	_ =	shalt  }
0x44: {  	_ =	shalt  }
0x45: {  	_ =	shalt  }
0x46: {  	_ =	shalt  }
0x47: {  	_ =	shalt  }
0x48: {  	_ =	shalt  }
0x49: {  	_ =	shalt  }
0x4a: {  	_ =	shalt  }
0x4b: {  	_ =	shalt  }
0x4c: {  	_ =	shalt  }
0x4d: {  	_ =	shalt  }
0x4e: {  	_ =	shalt  }
0x4f: {  	_ =	shalt  }
0x50: {  	_ =	shalt  }
0x51: {  	_ =	shalt  }
0x52: {  	_ =	shalt  }
0x53: {  	_ =	shalt  }
0x54: {  	_ =	shalt  }
0x55: {  	_ =	shalt  }
0x56: {  	_ =	shalt  }
0x57: {  	_ =	shalt  }
0x58: {  	_ =	shalt  }
0x59: {  	_ =	shalt  }
0x5a: {  	_ =	shalt  }
0x5b: {  	_ =	shalt  }
0x5c: {  	_ =	shalt  }
0x5d: {  	_ =	shalt  }
0x5e: {  	_ =	shalt  }
0x5f: {  	_ =	shalt  }
0x60: {  	_ =	shalt  }
0x61: {  	_ =	shalt  }
0x62: {  	_ =	shalt  }
0x63: {  	_ =	shalt  }
0x64: {  	_ =	shalt  }
0x65: {  	_ =	shalt  }
0x66: {  	_ =	shalt  }
0x67: {  	_ =	shalt  }
0x68: {  	_ =	shalt  }
0x69: {  	_ =	shalt  }
0x6a: {  	_ =	shalt  }
0x6b: {  	_ =	shalt  }
0x6c: {  	_ =	shalt  }
0x6d: {  	_ =	shalt  }
0x6e: {  	_ =	shalt  }
0x6f: {  	_ =	shalt  }
0x70: {  	_ =	shalt  }
0x71: {  	_ =	shalt  }
0x72: {  	_ =	shalt  }
0x73: {  	_ =	shalt  }
0x74: {  	_ =	shalt  }
0x75: {  	_ =	shalt  }
0x76: {  	_ =	shalt  }
0x77: {  	_ =	shalt  }
0x78: {  	_ =	shalt  }
0x79: {  	_ =	shalt  }
0x7a: {  	_ =	shalt  }
0x7b: {  	_ =	shalt  }
0x7c: {  	_ =	shalt  }
0x7d: {  	_ =	shalt  }
0x7e: {  	_ =	shalt  }
0x7f: {  	_ =	shalt  }
0x80: {  	_ =	shalt  }
0x81: {  	_ =	shalt  }
0x82: {  	_ =	shalt  }
0x83: {  	_ =	shalt  }
0x84: {  	_ =	shalt  }
0x85: {  	_ =	shalt  }
0x86: {  	_ =	shalt  }
0x87: {  	_ =	shalt  }
.Lfunc_end0:
.L_simem_size_0:
called_computation_lowered:
.L_overlay_start_0:
0x88: {  	s2 =	sld [smem:$0x3FD9]  }
0x89: {  	s3 =	sld [smem:$0x3FFE];
	_ =	sdelay $0x1  }
0x8a: {  	s1 =	srdreg.scid  }
0x8b: {  	s0 =	sand.u32 $0x1, s1  }
0x8c: {  	s16 =	sshll.u32 s0, $0xA;
	s2 =	sadd.s32 s3, s2  }
0x8d: {  	s2 =	sadd.s32 s2, s16  }
0x8e: {  	[smem:$0x3FC2] =	sst s2  }
0x8f: {  	_ = 	snop  }
0x90: {  	(tm) =	ssettm $0x1  }
0x91: {  	s17 =	sld [smem:$0x3FFB];
	_ =	sdelay $0x3  }
0x92: {  	_ =	strace s17  }
0x93: {  	s2 =	sld [smem:$0x3FFC];
	_ =	sdelay $0x3  }
0x94: {  	_ =	strace s2  }
0x95: {  	s2 =	sld [smem:$0x3FFD];
	_ =	sdelay $0x3  }
0x96: {  	_ =	strace s2  }
0x97: {  	_ =	strace $0x8FFFFFFF  }
0x98: {  	s18 =	sld [smem:$0x3FDB];
	_ =	sdelay $0x1  }
0x99: {  	s19 =	simm.s32 $_scs_section_size  }
0x9a: {  	s4 =	simm.s32 $_size__tile_overlayer_lowered;
	s5 =	simm.s32 $_tile_overlayer_lowered  }
0x9b: {  	s22 =	simm.s32 $0x1BFF;
	s21 =	sshll.u32 s5, $0x1;
	s2 =	sadd.s32 s19, s18  }
0x9c: {  	s6 =	simm.s32 $0x0;
	s20 =	sshll.u32 s4, $0x1;
	s4 =	sadd.s32 s21, s2  }
0x9d: {  	[timem:s6], [sflag:s22] =	dma.local [hbm:s4], s20  }
0x9e: {  	_ =	swait.ge [sflag:s22], s20  }
0x9f: {  	s3 =	ssub.s32 $0x0, s20;
	[sflag:s22] =	ssyncset.done $0x0  }
0xa0: {  	[sflag:s22] =	ssyncadd.s32 s3;
	_ =	sdelay $0x1  }
0xa1: {  	s23 =	simm.s32 $0x1B8B  }
0xa2: {  	_ =	swait.ge [sflag:s23], $0x1  }
0xa3: {  	[sflag:s23] =	ssyncset.done $0x0  }
0xa4: {  	s25 =	simm.s32 $0x1B8E;
	s24 =	sld [smem:$0x3FFE];
	[sflag:s23] =	ssyncadd.s32 $0xFFFFFFFF  }
0xa5: {  	s26 =	simm.s32 $execute0_lowered;
	[smem:$0x3FD2] =	sst s25  }
0xa6: {  	s4 =	sshll.u32 s26, $0x1;
	_ =	strace $0x80000046;
	[dreg:$0x1] =	wrdreg $0xFFFFFFFF  }
0xa7: {  	s28 =	simm.s32 $_size_execute0_lowered;
	s2 =	sadd.s32 s2, s4;
	[dreg:$0x0] =	wrdreg $0x0  }
0xa8: {  	s4 =	sshll.u32 s28, $0x1;
	[dreg:$0x2] =	wrdreg s2  }
0xa9: {  	[dreg:$0x3] =	wrdreg s4  }
0xaa: {  	[dreg:$0x4] =	wrdreg $0xC0  }
0xab: {  	_ =	task [dreg:s6], $0x5FFFF  }
0xac: {  	[dreg:$0x1] =	wrdreg $0xFFFFFFFF  }
0xad: {  	[dreg:$0x0] =	wrdreg $0x60  }
0xae: {  	[dreg:$0x2] =	wrdreg s24  }
0xaf: {  	[dreg:$0x3] =	wrdreg $0x9  }
0xb0: {  	_ =	task.clear_ibuf [dreg:s6], $0x4FFFF;
	_ =	strace $0x90000046  }
0xb1: {  	s29 =	simm.s32 $0x9;
	_ =	strace $0x80000048  }
0xb2: {  	_ =	swait.ge [sflag:s29], $0x1  }
0xb3: {  	[sflag:s29] =	ssyncadd.s32 $0xFFFFFFFF  }
0xb4: {  	_ =	strace $0x90000048  }
0xb5: {  	_ =	sfence  }
0xb6: {  	s30 =	sld [smem:$0x0];
	_ =	sdelay $0x2  }
0xb7: {  	s31 =	sshll.u32 s1, $0xD;
	s1 =	sshrl.u32 s1, $0x2  }
0xb8: {  	s3 =	sand.u32 $0x4000, s31;
	s1 =	sadd.s32 s1, s30  }
0xb9: {  	s0 =	sor.u32 s3, s0;
	s1 =	sshll.u32 s1, $0x11  }
0xba: {  	s0 =	sor.u32 s1, s0  }
0xbb: {  	s0 =	sadd.s32 $0x8F2B, s0  }
0xbc: {  	[sflag:s0] =	ssyncadd.remote.s32 $0x1  }
0xbd: {  	_ =	sfence.sel $0xFFFF  }
0xbe: {  	[dreg:$0x0] =	wrdreg $0xFFFFFFFF;
	(pc) =	sbr.abs _section_cstart, $3  }
0xbf: {  	[dreg:$0x1] =	wrdreg $0xFFFFFFFF  }
0xc0: {  	_ =	task.clear_ibuf [dreg:s6], $0x2FFFF;
	_ =	strace $0x9FFFFFFF  }
0xc1: {  	(tm) =	ssettm $0x7FFFFFFF  }
tec
execute0_lowered:
.L_overlay_start_1:
0x0: {  	(tag) =	ssettag $0x1  }
0x1: {  	s10 =	rddreg [dreg:$0x0]  }
0x2: {  	s0 =	rddreg [dreg:$0x1]  }
0x3: {  	s2 =	simm.s32 $0x0;
	s1 =	stileid.u32;
	s3 =	srdreg.scid  }
0x4: {  	s15 =	simm.s32 $0x80;
	s16 =	simm.s32 $0x200;
	s17 =	simm.s32 $0x10000  }
0x5: {  	s18 =	simm.s32 $0x1;
	s19 =	simm.s32 $0x19000;
	s20 =	simm.s32 $0x11000  }
0x6: {  	s21 =	simm.s32 $0x2;
	[smem:$0x7FF] =	sst s2;
	s4 =	sshll.u32 s1, $0x1  }
0x7: {  	s5 =	sand.u32 $0x1, s3;
	s6 =	sadd.s32 $0x188200, s10;
	s22 =	sshrl.u32 s1, $0x1  }
0x8: {  	s3 =	sadd.s32 $0x1200, s10;
	_ =	strace $0x80000047;
	s28 =	sand.u32 $0x2, s4  }
0x9: {  	s29 =	sshll.u32 s22, $0xE;
	s8 =	sshll.u32 s22, $0x4;
	s31 =	sshll.u32 s22, $0x8  }
0xa: {  	s14 =	sor.u32 $0x8, s22;
	s23 =	sor.u32 s5, s28;
	s5 =	ssub.s32 $0x2, s5  }
0xb: {  	s12 =	sadd.s32 s8, s10;
	s8 =	sor.u32 $0x10, s22;
	s7 =	sshll.u32 s23, $0x4  }
0xc: {  	s30 =	sshrl.u32 s5, $0x1;
	p0 =	seq.s32 s23, $0x0;
	s12 =	sadd.s32 $0x39A00, s12  }
.Ltmp0:
0xd: {  	vm0 =	vmxor vm0, vm0;
	p1 =	sne.s32 s23, $0x0;
	s4 =	sor.u32 s29, s7;
	(pc) =	sbr.rel .LBB2_1-.Ltmp0, $4  }
0xe: {  	s13 =	ssub.s32 s5, s30;
	s5 =	sadd.s32 s3, s31;
	vm0 =	vmneg @p0 vm0;
	p0 =	sne.s32 s22, $0x0  }
0xf: {  	s11 =	sadd.s32 s4, s10;
	s4 =	sadd.s32 s6, s4;
	s6 =	sadd.s32 s6, s7  }
0x10: {  	v0 =	vlaneseq.u32;
	s7 =	ssub.s32 $0x186, s22;
	s10 =	sadd.s32 $0x19800, s10;
	s13 =	smax.u32 s13, $0x1  }
0x11: {  	v1 =	vimm.f32 $0.0e+00;
	v2 =	vimm.f32 $1.000000000e+00;
	v3 =	vor.u32 $0x10, v0;
	s22 =	simm.s32 $0x3;
	s9 =	sadd.s32 $0x618000, s6;
	s11 =	sadd.s32 $0x19A00, s11  }
.LBB2_15:
.Ltmp1:
0x12: {  	(pc) =	sbr.rel @!p0 .LBB2_16-.Ltmp1, $1  }
0x13: {  	_ =	sdelay $0x3  }
.LBB2_19:
0x14: {  	[hbm4b:s11+s15] =	stream.strided.scatter [tilespmem:s20], [sflag:$0x3], $0x8000, s16, s15, $0x38;
	[tilespmem:$0x19400] =	vst v63  }
0x15: {  	s23 =	simm.s32 @!p1 $0x80;
	_ =	swait.ge [sflag:s22], $0x8000  }
0x16: {  	s24 =	simm.s32 @!p1 $0x400;
	s2 =	sadd.s32 $0x1, s2;
	[sflag:s22] =	ssyncset.done $0x0  }
0x17: {  	s25 =	simm.s32 @!p1 $0x19000;
	p2 =	sne.s32 s2, s13;
	[sflag:s22] =	ssyncadd.s32 $0xFFFF8000  }
0x18: {  	[hbm4b:s12+s23] =	stream.strided.scatter @!p1 [tilespmem:s25], [sflag:$0x3], $0x400, s24, s23, $0x38;
	[tilespmem:$0x19400] =	vst v63  }
.Ltmp2:
0x19: {  	_ = 	snop;
	(pc) =	sbr.rel @!p2 .LBB2_20-.Ltmp2, $4  }
0x1a: {  	s23 =	simm.s32 @!p1 $0x3  }
0x1b: {  	_ =	swait.ge @!p1 [sflag:s23], $0x400  }
0x1c: {  	[sflag:s23] =	ssyncset.done @!p1 $0x0  }
0x1d: {  	[sflag:s23] =	ssyncadd.s32 @!p1 $0xFFFFFC00  }
.LBB2_1:
0x1e: {  	s23 =	simm.s32 $0x0  }
.LBB2_2:
0x1f: {  	p2 =	sne.s32 s23, $0x1FFC0  }
.Ltmp3:
0x20: {  	_ = 	snop;
	(pc) =	sbr.rel @p2 .LBB2_2-.Ltmp3, $3  }
0x21: {  	_ =	sdelay $0x1  }
0x22: {  	s24 =	sshra.s32 s23, $0x2  }
0x23: {  	s23 =	sadd.s32 $0x40, s23;
	[tilespmem:s24+$0x11000] =	vst v1  }
0x24: {  	s23 =	simm.s32 $0x40;
	s24 =	simm.s32 $0x0  }
.LBB2_4:
0x25: {  	p2 =	sne.s32 s23, $0xFC0;
	[tilespmem:s24+$0x19000] =	vst v1;
	s24 =	smov.u32 s23;
	s23 =	sadd.s32 $0x40, s23  }
.Ltmp4:
0x26: {  	(pc) =	sbr.rel @p2 .LBB2_4-.Ltmp4, $2  }
0x27: {  	_ =	sdelay $0x2  }
0x28: {  	s24 =	sshra.s32 s24, $0x2  }
.Ltmp5:
0x29: {  	(pc) =	sbr.rel .LBB2_6-.Ltmp5, $4  }
0x2a: {  	[tilespmem:s24+$0x19000] =	vst v1;
	s23 =	simm.s32 $0x0  }
0x2b: {  	[tilespmem:s23], [sflag:$0x1] =	stream.strided.gather [hbm4b:s4+s15], $0x8000, s16, s15, $0x38;
	[tilespmem:$0x19400] =	vst v63  }
0x2c: {  	_ = 	snop  }
0x2d: {  	[tilespmem:s17], [sflag:$0x1] =	stream.linear.gather [hbm4b:s5+s23], $0x800, $0x38;
	[tilespmem:$0x19400] =	vst v63  }
.LBB2_14:
0x2e: {  	s23 =	sadd.s32 $0x1, s23  }
0x2f: {  	p2 =	sne.s32 s23, $0x19  }
.Ltmp6:
0x30: {  	_ = 	snop;
	(pc) =	sbr.rel @!p2 .LBB2_15-.Ltmp6, $1  }
0x31: {  	_ =	sdelay $0x3  }
.LBB2_6:
0x32: {  	s24 =	sshll.u32 s23, $0x4  }
0x33: {  	s25 =	sor.u32 s14, s24  }
0x34: {  	p2 =	sgt.u32 s25, $0x185  }
0x35: {  	p3 =	sge.u32 s24, s7;
	s26 =	sshll.u32 @!p2 s25, $0xE  }
.Ltmp7:
0x36: {  	s28 =	simm.s32 @!p2 $0x80;
	s29 =	simm.s32 @!p2 $0x200;
	(pc) =	sbr.rel @p3 .LBB2_10-.Ltmp7, $4  }
0x37: {  	s30 =	simm.s32 @!p2 $0x8000;
	s25 =	sshll.u32 @!p2 s25, $0x8;
	s26 =	sadd.s32 @!p2 s26, s6  }
0x38: {  	[tilespmem:s30], [sflag:$0x2] =	stream.strided.gather @!p2 [hbm4b:s26+s28], $0x8000, s29, s28, $0x38;
	[tilespmem:$0x19400] =	vst v63  }
0x39: {  	s25 =	sadd.s32 @!p2 s3, s25;
	s26 =	simm.s32 @!p2 $0x0;
	s28 =	simm.s32 @!p2 $0x10800  }
0x3a: {  	[tilespmem:s28], [sflag:$0x2] =	stream.linear.gather @!p2 [hbm4b:s25+s26], $0x800, $0x38;
	[tilespmem:$0x19400] =	vst v63  }
0x3b: {  	_ =	swait.ge [sflag:s18], $0x8000  }
0x3c: {  	[sflag:s18] =	ssyncset.done $0x0  }
0x3d: {  	[sflag:s18] =	ssyncadd.s32 $0xFFFF8000  }
0x3e: {  	_ =	swait.ge [sflag:s18], $0x800  }
0x3f: {  	[sflag:s18] =	ssyncset.done $0x0  }
0x40: {  	s25 =	simm.s32 $0x0;
	[sflag:s18] =	ssyncadd.s32 $0xFFFFF800  }
0x41: {  	v4 =	vld [tilespmem:s25+$0x10000];
	_ =	sdelay $0x5  }
0x42: {  	v5 =	vshll.u32 v4, $0x5  }
0x43: {  	v6 =	vbroadcast v5, $0x0  }
0x44: {  	s25 =	simm.s32 $0x400;
	[tilespmem:v4+s19+$0x0] =	vst.idx.add.f32.msk vm0, v2  }
0x45: {  	v4 =	vor.u32 v0, v6;
	v7 =	vld [tilespmem:s25+$0xFFFFFC00];
	_ =	sdelay $0x4  }
0x46: {  	[tilespmem:v4+s20+$0x0] =	vst.idx.add.f32.msk $0xffff, v7  }
0x47: {  	v6 =	vor.u32 v3, v6;
	v4 =	vld [tilespmem:s25+$0xFFFFFC10];
	_ =	sdelay $0x3  }
0x48: {  	v7 =	vbroadcast v5, $0x1  }
0x49: {  	[tilespmem:v6+s20+$0x0] =	vst.idx.add.f32.msk $0xffff, v4  }
0x4a: {  	v4 =	vor.u32 v0, v7;
	v6 =	vld [tilespmem:s25+$0xFFFFFC80];
	_ =	sdelay $0x4  }
0x4b: {  	[tilespmem:v4+s20+$0x0] =	vst.idx.add.f32.msk $0xffff, v6  }
0x4c: {  	v6 =	vor.u32 v3, v7;
	v4 =	vld [tilespmem:s25+$0xFFFFFC90];
	_ =	sdelay $0x3  }
0x4d: {  	v7 =	vbroadcast v5, $0x2  }
0x4e: {  	[tilespmem:v6+s20+$0x0] =	vst.idx.add.f32.msk $0xffff, v4  }
0x4f: {  	v4 =	vor.u32 v0, v7;
	v6 =	vld [tilespmem:s25+$0xFFFFFD00];
	_ =	sdelay $0x4  }
0x50: {  	[tilespmem:v4+s20+$0x0] =	vst.idx.add.f32.msk $0xffff, v6  }
0x51: {  	v6 =	vor.u32 v3, v7;
	v4 =	vld [tilespmem:s25+$0xFFFFFD10];
	_ =	sdelay $0x3  }
0x52: {  	v7 =	vbroadcast v5, $0x3  }
0x53: {  	[tilespmem:v6+s20+$0x0] =	vst.idx.add.f32.msk $0xffff, v4  }
0x54: {  	v4 =	vor.u32 v0, v7;
	v6 =	vld [tilespmem:s25+$0xFFFFFD80];
	_ =	sdelay $0x4  }
0x55: {  	[tilespmem:v4+s20+$0x0] =	vst.idx.add.f32.msk $0xffff, v6  }
0x56: {  	v6 =	vor.u32 v3, v7;
	v4 =	vld [tilespmem:s25+$0xFFFFFD90];
	_ =	sdelay $0x3  }
0x57: {  	v7 =	vbroadcast v5, $0x4  }
0x58: {  	[tilespmem:v6+s20+$0x0] =	vst.idx.add.f32.msk $0xffff, v4  }
0x59: {  	v4 =	vor.u32 v0, v7;
	v6 =	vld [tilespmem:s25+$0xFFFFFE00];
	_ =	sdelay $0x4  }
0x5a: {  	[tilespmem:v4+s20+$0x0] =	vst.idx.add.f32.msk $0xffff, v6  }
0x5b: {  	v6 =	vor.u32 v3, v7;
	v4 =	vld [tilespmem:s25+$0xFFFFFE10];
	_ =	sdelay $0x3  }
0x5c: {  	v7 =	vbroadcast v5, $0x5  }
0x5d: {  	[tilespmem:v6+s20+$0x0] =	vst.idx.add.f32.msk $0xffff, v4  }
0x5e: {  	v4 =	vor.u32 v0, v7;
	v6 =	vld [tilespmem:s25+$0xFFFFFE80];
	_ =	sdelay $0x4  }
0x5f: {  	[tilespmem:v4+s20+$0x0] =	vst.idx.add.f32.msk $0xffff, v6  }
0x60: {  	v6 =	vor.u32 v3, v7;
	v4 =	vld [tilespmem:s25+$0xFFFFFE90];
	_ =	sdelay $0x3  }
0x61: {  	v7 =	vbroadcast v5, $0x6  }
0x62: {  	[tilespmem:v6+s20+$0x0] =	vst.idx.add.f32.msk $0xffff, v4  }
0x63: {  	v4 =	vor.u32 v0, v7;
	v6 =	vld [tilespmem:s25+$0xFFFFFF00];
	_ =	sdelay $0x4  }
0x64: {  	[tilespmem:v4+s20+$0x0] =	vst.idx.add.f32.msk $0xffff, v6  }
0x65: {  	v6 =	vor.u32 v3, v7;
	v4 =	vld [tilespmem:s25+$0xFFFFFF10];
	_ =	sdelay $0x3  }
0x66: {  	v7 =	vbroadcast v5, $0x7  }
0x67: {  	[tilespmem:v6+s20+$0x0] =	vst.idx.add.f32.msk $0xffff, v4  }
0x68: {  	v4 =	vor.u32 v0, v7;
	v6 =	vld [tilespmem:s25+$0xFFFFFF80];
	_ =	sdelay $0x4  }
0x69: {  	[tilespmem:v4+s20+$0x0] =	vst.idx.add.f32.msk $0xffff, v6  }
0x6a: {  	v6 =	vor.u32 v3, v7;
	v4 =	vld [tilespmem:s25+$0xFFFFFF90];
	_ =	sdelay $0x3  }
0x6b: {  	v7 =	vbroadcast v5, $0x8  }
0x6c: {  	[tilespmem:v6+s20+$0x0] =	vst.idx.add.f32.msk $0xffff, v4  }
0x6d: {  	v4 =	vor.u32 v0, v7;
	v6 =	vld [tilespmem:s25+$0x0];
	_ =	sdelay $0x4  }
0x6e: {  	[tilespmem:v4+s20+$0x0] =	vst.idx.add.f32.msk $0xffff, v6  }
0x6f: {  	v6 =	vor.u32 v3, v7;
	v4 =	vld [tilespmem:s25+$0x10];
	_ =	sdelay $0x3  }
0x70: {  	v7 =	vbroadcast v5, $0x9  }
0x71: {  	[tilespmem:v6+s20+$0x0] =	vst.idx.add.f32.msk $0xffff, v4  }
0x72: {  	v4 =	vor.u32 v0, v7;
	v6 =	vld [tilespmem:s25+$0x80];
	_ =	sdelay $0x4  }
0x73: {  	[tilespmem:v4+s20+$0x0] =	vst.idx.add.f32.msk $0xffff, v6  }
0x74: {  	v6 =	vor.u32 v3, v7;
	v4 =	vld [tilespmem:s25+$0x90];
	_ =	sdelay $0x3  }
0x75: {  	v7 =	vbroadcast v5, $0xA  }
0x76: {  	[tilespmem:v6+s20+$0x0] =	vst.idx.add.f32.msk $0xffff, v4  }
0x77: {  	v4 =	vor.u32 v0, v7;
	v6 =	vld [tilespmem:s25+$0x100];
	_ =	sdelay $0x4  }
0x78: {  	[tilespmem:v4+s20+$0x0] =	vst.idx.add.f32.msk $0xffff, v6  }
0x79: {  	v6 =	vor.u32 v3, v7;
	v4 =	vld [tilespmem:s25+$0x110];
	_ =	sdelay $0x3  }
0x7a: {  	v7 =	vbroadcast v5, $0xB  }
0x7b: {  	[tilespmem:v6+s20+$0x0] =	vst.idx.add.f32.msk $0xffff, v4  }
0x7c: {  	v4 =	vor.u32 v0, v7;
	v6 =	vld [tilespmem:s25+$0x180];
	_ =	sdelay $0x4  }
0x7d: {  	[tilespmem:v4+s20+$0x0] =	vst.idx.add.f32.msk $0xffff, v6  }
0x7e: {  	v6 =	vor.u32 v3, v7;
	v4 =	vld [tilespmem:s25+$0x190];
	_ =	sdelay $0x3  }
0x7f: {  	v7 =	vbroadcast v5, $0xC  }
0x80: {  	[tilespmem:v6+s20+$0x0] =	vst.idx.add.f32.msk $0xffff, v4  }
0x81: {  	v4 =	vor.u32 v0, v7;
	v6 =	vld [tilespmem:s25+$0x200];
	_ =	sdelay $0x4  }
0x82: {  	[tilespmem:v4+s20+$0x0] =	vst.idx.add.f32.msk $0xffff, v6  }
0x83: {  	v6 =	vor.u32 v3, v7;
	v4 =	vld [tilespmem:s25+$0x210];
	_ =	sdelay $0x3  }
0x84: {  	v7 =	vbroadcast v5, $0xD  }
0x85: {  	[tilespmem:v6+s20+$0x0] =	vst.idx.add.f32.msk $0xffff, v4  }
0x86: {  	v4 =	vor.u32 v0, v7;
	v6 =	vld [tilespmem:s25+$0x280];
	_ =	sdelay $0x4  }
0x87: {  	[tilespmem:v4+s20+$0x0] =	vst.idx.add.f32.msk $0xffff, v6  }
0x88: {  	v6 =	vor.u32 v3, v7;
	v4 =	vld [tilespmem:s25+$0x290];
	_ =	sdelay $0x1  }
0x89: {  	(v2sf) =	vpush v5, $0xF;
	_ =	sdelay $0x1  }
0x8a: {  	v5 =	vbroadcast v5, $0xE  }
0x8b: {  	[tilespmem:v6+s20+$0x0] =	vst.idx.add.f32.msk $0xffff, v4  }
0x8c: {  	v4 =	vor.u32 v0, v5;
	v6 =	vld [tilespmem:s25+$0x300];
	_ =	sdelay $0x4  }
0x8d: {  	[tilespmem:v4+s20+$0x0] =	vst.idx.add.f32.msk $0xffff, v6  }
0x8e: {  	v5 =	vor.u32 v3, v5;
	v4 =	vld [tilespmem:s25+$0x310];
	_ =	sdelay $0x4  }
0x8f: {  	s28 =	spop (v2sf);
	[tilespmem:v5+s20+$0x0] =	vst.idx.add.f32.msk $0xffff, v4  }
0x90: {  	v4 =	vor.u32 s28, v0;
	v5 =	vld [tilespmem:s25+$0x380];
	_ =	sdelay $0x4  }
0x91: {  	[tilespmem:v4+s20+$0x0] =	vst.idx.add.f32.msk $0xffff, v5  }
0x92: {  	s26 =	simm.s32 $0x200;
	s29 =	simm.s32 $0x400;
	v5 =	vor.u32 s28, v3;
	v4 =	vld [tilespmem:s25+$0x390]  }
.LBB2_8:
0x93: {  	_ =	sdelay $0x2  }
0x94: {  	s30 =	sshra.s32 s26, $0x2  }
0x95: {  	s25 =	sadd.s32 $0x800, s25;
	s26 =	smov.u32 s29;
	s28 =	sadd.s32 $0x200, s29;
	[tilespmem:v5+s20+$0x0] =	vst.idx.add.f32.msk $0xffff, v4  }
0x96: {  	p3 =	sne.s32 s29, $0x1E00;
	v4 =	vld [tilespmem:s30+$0x10000];
	_ =	sdelay $0x4  }
0x97: {  	v12 =	vshll.u32 v4, $0x5  }
0x98: {  	v13 =	vbroadcast v12, $0x0;
	v14 =	vbroadcast v12, $0x1;
	(v2sf) =	vpush v12, $0xF  }
0x99: {  	v15 =	vbroadcast v12, $0x2;
	v16 =	vbroadcast v12, $0x3  }
0x9a: {  	v17 =	vbroadcast v12, $0x4;
	v18 =	vbroadcast v12, $0x5;
	[tilespmem:v4+s19+$0x0] =	vst.idx.add.f32.msk vm0, v2  }
0x9b: {  	v21 =	vbroadcast v12, $0x6;
	v11 =	vbroadcast v12, $0x7;
	v19 =	vor.u32 v0, v13;
	v20 =	vld [tilespmem:s25+$0xFFFFFC00]  }
0x9c: {  	v10 =	vbroadcast v12, $0x8;
	v9 =	vbroadcast v12, $0x9  }
0x9d: {  	v8 =	vbroadcast v12, $0xA;
	v7 =	vbroadcast v12, $0xB  }
0x9e: {  	v6 =	vbroadcast v12, $0xC;
	v5 =	vbroadcast v12, $0xD  }
0x9f: {  	v4 =	vbroadcast v12, $0xE  }
0xa0: {  	[tilespmem:v19+s20+$0x0] =	vst.idx.add.f32.msk $0xffff, v20  }
0xa1: {  	v13 =	vor.u32 v3, v13;
	v12 =	vld [tilespmem:s25+$0xFFFFFC10];
	_ =	sdelay $0x4  }
0xa2: {  	[tilespmem:v13+s20+$0x0] =	vst.idx.add.f32.msk $0xffff, v12  }
0xa3: {  	v12 =	vor.u32 v0, v14;
	v13 =	vld [tilespmem:s25+$0xFFFFFC80];
	s29 =	spop (v2sf);
	_ =	sdelay $0x4  }
0xa4: {  	[tilespmem:v12+s20+$0x0] =	vst.idx.add.f32.msk $0xffff, v13  }
0xa5: {  	v13 =	vor.u32 v3, v14;
	v12 =	vld [tilespmem:s25+$0xFFFFFC90];
	_ =	sdelay $0x4  }
0xa6: {  	[tilespmem:v13+s20+$0x0] =	vst.idx.add.f32.msk $0xffff, v12  }
0xa7: {  	v12 =	vor.u32 v0, v15;
	v13 =	vld [tilespmem:s25+$0xFFFFFD00];
	_ =	sdelay $0x4  }
0xa8: {  	[tilespmem:v12+s20+$0x0] =	vst.idx.add.f32.msk $0xffff, v13  }
0xa9: {  	v13 =	vor.u32 v3, v15;
	v12 =	vld [tilespmem:s25+$0xFFFFFD10];
	_ =	sdelay $0x4  }
0xaa: {  	[tilespmem:v13+s20+$0x0] =	vst.idx.add.f32.msk $0xffff, v12  }
0xab: {  	v12 =	vor.u32 v0, v16;
	v13 =	vld [tilespmem:s25+$0xFFFFFD80];
	_ =	sdelay $0x4  }
0xac: {  	[tilespmem:v12+s20+$0x0] =	vst.idx.add.f32.msk $0xffff, v13  }
0xad: {  	v13 =	vor.u32 v3, v16;
	v12 =	vld [tilespmem:s25+$0xFFFFFD90];
	_ =	sdelay $0x4  }
0xae: {  	[tilespmem:v13+s20+$0x0] =	vst.idx.add.f32.msk $0xffff, v12  }
0xaf: {  	v12 =	vor.u32 v0, v17;
	v13 =	vld [tilespmem:s25+$0xFFFFFE00];
	_ =	sdelay $0x4  }
0xb0: {  	[tilespmem:v12+s20+$0x0] =	vst.idx.add.f32.msk $0xffff, v13  }
0xb1: {  	v13 =	vor.u32 v3, v17;
	v12 =	vld [tilespmem:s25+$0xFFFFFE10];
	_ =	sdelay $0x4  }
0xb2: {  	[tilespmem:v13+s20+$0x0] =	vst.idx.add.f32.msk $0xffff, v12  }
0xb3: {  	v12 =	vor.u32 v0, v18;
	v13 =	vld [tilespmem:s25+$0xFFFFFE80];
	_ =	sdelay $0x4  }
0xb4: {  	[tilespmem:v12+s20+$0x0] =	vst.idx.add.f32.msk $0xffff, v13  }
0xb5: {  	v13 =	vor.u32 v3, v18;
	v12 =	vld [tilespmem:s25+$0xFFFFFE90];
	_ =	sdelay $0x4  }
0xb6: {  	[tilespmem:v13+s20+$0x0] =	vst.idx.add.f32.msk $0xffff, v12  }
0xb7: {  	v12 =	vor.u32 v0, v21;
	v13 =	vld [tilespmem:s25+$0xFFFFFF00];
	_ =	sdelay $0x4  }
0xb8: {  	[tilespmem:v12+s20+$0x0] =	vst.idx.add.f32.msk $0xffff, v13  }
0xb9: {  	v13 =	vor.u32 v3, v21;
	v12 =	vld [tilespmem:s25+$0xFFFFFF10];
	_ =	sdelay $0x4  }
0xba: {  	[tilespmem:v13+s20+$0x0] =	vst.idx.add.f32.msk $0xffff, v12  }
0xbb: {  	v12 =	vor.u32 v0, v11;
	v13 =	vld [tilespmem:s25+$0xFFFFFF80];
	_ =	sdelay $0x4  }
0xbc: {  	[tilespmem:v12+s20+$0x0] =	vst.idx.add.f32.msk $0xffff, v13  }
0xbd: {  	v11 =	vor.u32 v3, v11;
	v12 =	vld [tilespmem:s25+$0xFFFFFF90];
	_ =	sdelay $0x4  }
0xbe: {  	[tilespmem:v11+s20+$0x0] =	vst.idx.add.f32.msk $0xffff, v12  }
0xbf: {  	v11 =	vor.u32 v0, v10;
	v12 =	vld [tilespmem:s25+$0x0];
	_ =	sdelay $0x4  }
0xc0: {  	[tilespmem:v11+s20+$0x0] =	vst.idx.add.f32.msk $0xffff, v12  }
0xc1: {  	v10 =	vor.u32 v3, v10;
	v11 =	vld [tilespmem:s25+$0x10];
	_ =	sdelay $0x4  }
0xc2: {  	[tilespmem:v10+s20+$0x0] =	vst.idx.add.f32.msk $0xffff, v11  }
0xc3: {  	v10 =	vor.u32 v0, v9;
	v11 =	vld [tilespmem:s25+$0x80];
	_ =	sdelay $0x4  }
0xc4: {  	[tilespmem:v10+s20+$0x0] =	vst.idx.add.f32.msk $0xffff, v11  }
0xc5: {  	v9 =	vor.u32 v3, v9;
	v10 =	vld [tilespmem:s25+$0x90];
	_ =	sdelay $0x4  }
0xc6: {  	[tilespmem:v9+s20+$0x0] =	vst.idx.add.f32.msk $0xffff, v10  }
0xc7: {  	v9 =	vor.u32 v0, v8;
	v10 =	vld [tilespmem:s25+$0x100];
	_ =	sdelay $0x4  }
0xc8: {  	[tilespmem:v9+s20+$0x0] =	vst.idx.add.f32.msk $0xffff, v10  }
0xc9: {  	v8 =	vor.u32 v3, v8;
	v9 =	vld [tilespmem:s25+$0x110];
	_ =	sdelay $0x4  }
0xca: {  	[tilespmem:v8+s20+$0x0] =	vst.idx.add.f32.msk $0xffff, v9  }
0xcb: {  	v8 =	vor.u32 v0, v7;
	v9 =	vld [tilespmem:s25+$0x180];
	_ =	sdelay $0x4  }
0xcc: {  	[tilespmem:v8+s20+$0x0] =	vst.idx.add.f32.msk $0xffff, v9  }
0xcd: {  	v7 =	vor.u32 v3, v7;
	v8 =	vld [tilespmem:s25+$0x190];
	_ =	sdelay $0x4  }
0xce: {  	[tilespmem:v7+s20+$0x0] =	vst.idx.add.f32.msk $0xffff, v8  }
0xcf: {  	v7 =	vor.u32 v0, v6;
	v8 =	vld [tilespmem:s25+$0x200];
	_ =	sdelay $0x4  }
0xd0: {  	[tilespmem:v7+s20+$0x0] =	vst.idx.add.f32.msk $0xffff, v8  }
0xd1: {  	v6 =	vor.u32 v3, v6;
	v7 =	vld [tilespmem:s25+$0x210];
	_ =	sdelay $0x4  }
0xd2: {  	[tilespmem:v6+s20+$0x0] =	vst.idx.add.f32.msk $0xffff, v7  }
0xd3: {  	v6 =	vor.u32 v0, v5;
	v7 =	vld [tilespmem:s25+$0x280];
	_ =	sdelay $0x4  }
0xd4: {  	[tilespmem:v6+s20+$0x0] =	vst.idx.add.f32.msk $0xffff, v7  }
0xd5: {  	v5 =	vor.u32 v3, v5;
	v6 =	vld [tilespmem:s25+$0x290];
	_ =	sdelay $0x4  }
0xd6: {  	[tilespmem:v5+s20+$0x0] =	vst.idx.add.f32.msk $0xffff, v6  }
0xd7: {  	v5 =	vor.u32 v0, v4;
	v6 =	vld [tilespmem:s25+$0x300];
	_ =	sdelay $0x4  }
0xd8: {  	[tilespmem:v5+s20+$0x0] =	vst.idx.add.f32.msk $0xffff, v6  }
0xd9: {  	v4 =	vor.u32 v3, v4;
	v5 =	vld [tilespmem:s25+$0x310];
	_ =	sdelay $0x4  }
0xda: {  	[tilespmem:v4+s20+$0x0] =	vst.idx.add.f32.msk $0xffff, v5  }
0xdb: {  	v4 =	vor.u32 s29, v0;
	v5 =	vld [tilespmem:s25+$0x380];
	_ =	sdelay $0x1  }
.Ltmp8:
0xdc: {  	(pc) =	sbr.rel @p3 .LBB2_8-.Ltmp8, $3  }
0xdd: {  	_ =	sdelay $0x1  }
0xde: {  	[tilespmem:v4+s20+$0x0] =	vst.idx.add.f32.msk $0xffff, v5  }
0xdf: {  	v5 =	vor.u32 s29, v3;
	s29 =	smov.u32 s28;
	v4 =	vld [tilespmem:s25+$0x390]  }
0xe0: {  	_ =	sdelay $0x3  }
0xe1: {  	s26 =	sshra.s32 s26, $0x2;
	[tilespmem:v5+s20+$0x0] =	vst.idx.add.f32.msk $0xffff, v4  }
0xe2: {  	v4 =	vld [tilespmem:s26+$0x10000];
	_ =	sdelay $0x5  }
0xe3: {  	v5 =	vshll.u32 v4, $0x5  }
0xe4: {  	v6 =	vbroadcast v5, $0x0  }
0xe5: {  	s25 =	sadd.s32 $0x800, s25;
	[tilespmem:v4+s19+$0x0] =	vst.idx.add.f32.msk vm0, v2  }
0xe6: {  	v4 =	vor.u32 v0, v6;
	v7 =	vld [tilespmem:s25+$0xFFFFFC00];
	_ =	sdelay $0x4  }
0xe7: {  	[tilespmem:v4+s20+$0x0] =	vst.idx.add.f32.msk $0xffff, v7  }
0xe8: {  	v6 =	vor.u32 v3, v6;
	v4 =	vld [tilespmem:s25+$0xFFFFFC10];
	_ =	sdelay $0x3  }
0xe9: {  	v38 =	vbroadcast v5, $0x1  }
0xea: {  	[tilespmem:v6+s20+$0x0] =	vst.idx.add.f32.msk $0xffff, v4  }
0xeb: {  	v4 =	vor.u32 v0, v38;
	v6 =	vld [tilespmem:s25+$0xFFFFFC80];
	_ =	sdelay $0x4  }
0xec: {  	[tilespmem:v4+s20+$0x0] =	vst.idx.add.f32.msk $0xffff, v6  }
0xed: {  	v39 =	vor.u32 v3, v38;
	v4 =	vld [tilespmem:s25+$0xFFFFFC90];
	_ =	sdelay $0x3  }
0xee: {  	v40 =	vbroadcast v5, $0x2  }
0xef: {  	[tilespmem:v39+s20+$0x0] =	vst.idx.add.f32.msk $0xffff, v4  }
0xf0: {  	v4 =	vor.u32 v0, v40;
	v6 =	vld [tilespmem:s25+$0xFFFFFD00];
	_ =	sdelay $0x4  }
0xf1: {  	[tilespmem:v4+s20+$0x0] =	vst.idx.add.f32.msk $0xffff, v6  }
0xf2: {  	v41 =	vor.u32 v3, v40;
	v4 =	vld [tilespmem:s25+$0xFFFFFD10];
	_ =	sdelay $0x3  }
0xf3: {  	v42 =	vbroadcast v5, $0x3  }
0xf4: {  	[tilespmem:v41+s20+$0x0] =	vst.idx.add.f32.msk $0xffff, v4  }
0xf5: {  	v4 =	vor.u32 v0, v42;
	v6 =	vld [tilespmem:s25+$0xFFFFFD80];
	_ =	sdelay $0x4  }
0xf6: {  	[tilespmem:v4+s20+$0x0] =	vst.idx.add.f32.msk $0xffff, v6  }
0xf7: {  	v43 =	vor.u32 v3, v42;
	v4 =	vld [tilespmem:s25+$0xFFFFFD90];
	_ =	sdelay $0x3  }
0xf8: {  	v44 =	vbroadcast v5, $0x4  }
0xf9: {  	[tilespmem:v43+s20+$0x0] =	vst.idx.add.f32.msk $0xffff, v4  }
0xfa: {  	v4 =	vor.u32 v0, v44;
	v6 =	vld [tilespmem:s25+$0xFFFFFE00];
	_ =	sdelay $0x4  }
0xfb: {  	[tilespmem:v4+s20+$0x0] =	vst.idx.add.f32.msk $0xffff, v6  }
0xfc: {  	v45 =	vor.u32 v3, v44;
	v4 =	vld [tilespmem:s25+$0xFFFFFE10];
	_ =	sdelay $0x3  }
0xfd: {  	v46 =	vbroadcast v5, $0x5  }
0xfe: {  	[tilespmem:v45+s20+$0x0] =	vst.idx.add.f32.msk $0xffff, v4  }
0xff: {  	v4 =	vor.u32 v0, v46;
	v6 =	vld [tilespmem:s25+$0xFFFFFE80];
	_ =	sdelay $0x4  }
0x100: {  	[tilespmem:v4+s20+$0x0] =	vst.idx.add.f32.msk $0xffff, v6  }
0x101: {  	v47 =	vor.u32 v3, v46;
	v4 =	vld [tilespmem:s25+$0xFFFFFE90];
	_ =	sdelay $0x3  }
0x102: {  	v48 =	vbroadcast v5, $0x6  }
0x103: {  	[tilespmem:v47+s20+$0x0] =	vst.idx.add.f32.msk $0xffff, v4  }
0x104: {  	v4 =	vor.u32 v0, v48;
	v6 =	vld [tilespmem:s25+$0xFFFFFF00];
	_ =	sdelay $0x4  }
0x105: {  	[tilespmem:v4+s20+$0x0] =	vst.idx.add.f32.msk $0xffff, v6  }
0x106: {  	v49 =	vor.u32 v3, v48;
	v4 =	vld [tilespmem:s25+$0xFFFFFF10];
	_ =	sdelay $0x3  }
0x107: {  	v50 =	vbroadcast v5, $0x7  }
0x108: {  	[tilespmem:v49+s20+$0x0] =	vst.idx.add.f32.msk $0xffff, v4  }
0x109: {  	v4 =	vor.u32 v0, v50;
	v6 =	vld [tilespmem:s25+$0xFFFFFF80];
	_ =	sdelay $0x4  }
0x10a: {  	[tilespmem:v4+s20+$0x0] =	vst.idx.add.f32.msk $0xffff, v6  }
0x10b: {  	v51 =	vor.u32 v3, v50;
	v4 =	vld [tilespmem:s25+$0xFFFFFF90];
	_ =	sdelay $0x3  }
0x10c: {  	v52 =	vbroadcast v5, $0x8  }
0x10d: {  	[tilespmem:v51+s20+$0x0] =	vst.idx.add.f32.msk $0xffff, v4  }
0x10e: {  	v4 =	vor.u32 v0, v52;
	v6 =	vld [tilespmem:s25+$0x0];
	_ =	sdelay $0x4  }
0x10f: {  	[tilespmem:v4+s20+$0x0] =	vst.idx.add.f32.msk $0xffff, v6  }
0x110: {  	v53 =	vor.u32 v3, v52;
	v4 =	vld [tilespmem:s25+$0x10];
	_ =	sdelay $0x3  }
0x111: {  	v54 =	vbroadcast v5, $0x9  }
0x112: {  	[tilespmem:v53+s20+$0x0] =	vst.idx.add.f32.msk $0xffff, v4  }
0x113: {  	v4 =	vor.u32 v0, v54;
	v6 =	vld [tilespmem:s25+$0x80];
	_ =	sdelay $0x4  }
0x114: {  	[tilespmem:v4+s20+$0x0] =	vst.idx.add.f32.msk $0xffff, v6  }
0x115: {  	v55 =	vor.u32 v3, v54;
	v4 =	vld [tilespmem:s25+$0x90];
	_ =	sdelay $0x3  }
0x116: {  	v56 =	vbroadcast v5, $0xA  }
0x117: {  	[tilespmem:v55+s20+$0x0] =	vst.idx.add.f32.msk $0xffff, v4  }
0x118: {  	v4 =	vor.u32 v0, v56;
	v6 =	vld [tilespmem:s25+$0x100];
	_ =	sdelay $0x4  }
0x119: {  	[tilespmem:v4+s20+$0x0] =	vst.idx.add.f32.msk $0xffff, v6  }
0x11a: {  	v57 =	vor.u32 v3, v56;
	v4 =	vld [tilespmem:s25+$0x110];
	_ =	sdelay $0x3  }
0x11b: {  	v58 =	vbroadcast v5, $0xB  }
0x11c: {  	[tilespmem:v57+s20+$0x0] =	vst.idx.add.f32.msk $0xffff, v4  }
0x11d: {  	v4 =	vor.u32 v0, v58;
	v6 =	vld [tilespmem:s25+$0x180];
	_ =	sdelay $0x4  }
0x11e: {  	[tilespmem:v4+s20+$0x0] =	vst.idx.add.f32.msk $0xffff, v6  }
0x11f: {  	v59 =	vor.u32 v3, v58;
	v4 =	vld [tilespmem:s25+$0x190];
	_ =	sdelay $0x3  }
0x120: {  	v60 =	vbroadcast v5, $0xC  }
0x121: {  	[tilespmem:v59+s20+$0x0] =	vst.idx.add.f32.msk $0xffff, v4  }
0x122: {  	v4 =	vor.u32 v0, v60;
	v6 =	vld [tilespmem:s25+$0x200];
	_ =	sdelay $0x4  }
0x123: {  	[tilespmem:v4+s20+$0x0] =	vst.idx.add.f32.msk $0xffff, v6  }
0x124: {  	v61 =	vor.u32 v3, v60;
	v4 =	vld [tilespmem:s25+$0x210];
	_ =	sdelay $0x3  }
0x125: {  	v62 =	vbroadcast v5, $0xD  }
0x126: {  	[tilespmem:v61+s20+$0x0] =	vst.idx.add.f32.msk $0xffff, v4  }
0x127: {  	v4 =	vor.u32 v0, v62;
	v6 =	vld [tilespmem:s25+$0x280];
	_ =	sdelay $0x4  }
0x128: {  	[tilespmem:v4+s20+$0x0] =	vst.idx.add.f32.msk $0xffff, v6  }
0x129: {  	v63 =	vor.u32 v3, v62;
	v4 =	vld [tilespmem:s25+$0x290];
	_ =	sdelay $0x1  }
0x12a: {  	(v2sf) =	vpush v5, $0xF;
	_ =	sdelay $0x1  }
0x12b: {  	v5 =	vbroadcast v5, $0xE  }
0x12c: {  	[tilespmem:v63+s20+$0x0] =	vst.idx.add.f32.msk $0xffff, v4  }
0x12d: {  	v4 =	vor.u32 v0, v5;
	v6 =	vld [tilespmem:s25+$0x300];
	_ =	sdelay $0x4  }
0x12e: {  	[tilespmem:v4+s20+$0x0] =	vst.idx.add.f32.msk $0xffff, v6  }
0x12f: {  	v5 =	vor.u32 v3, v5;
	v4 =	vld [tilespmem:s25+$0x310];
	_ =	sdelay $0x4  }
0x130: {  	s31 =	spop (v2sf);
	[tilespmem:v5+s20+$0x0] =	vst.idx.add.f32.msk $0xffff, v4  }
0x131: {  	v4 =	vor.u32 s31, v0;
	v5 =	vld [tilespmem:s25+$0x380];
	_ =	sdelay $0x4  }
0x132: {  	[tilespmem:v4+s20+$0x0] =	vst.idx.add.f32.msk $0xffff, v5  }
0x133: {  	v5 =	vor.u32 s31, v3;
	v4 =	vld [tilespmem:s25+$0x390];
	_ =	sdelay $0x4  }
0x134: {  	[tilespmem:v5+s20+$0x0] =	vst.idx.add.f32.msk $0xffff, v4  }
.LBB2_10:
0x135: {  	s24 =	sadd.s32 s8, s24  }
0x136: {  	p3 =	sgt.u32 s24, $0x185  }
0x137: {  	s25 =	sshll.u32 @!p3 s24, $0xE  }
.Ltmp9:
0x138: {  	s26 =	simm.s32 @!p3 $0x80;
	s28 =	simm.s32 @!p3 $0x200;
	(pc) =	sbr.rel @p2 .LBB2_14-.Ltmp9, $4  }
0x139: {  	s29 =	simm.s32 @!p3 $0x0;
	s24 =	sshll.u32 @!p3 s24, $0x8;
	s25 =	sadd.s32 @!p3 s25, s6  }
0x13a: {  	[tilespmem:s29], [sflag:$0x1] =	stream.strided.gather @!p3 [hbm4b:s25+s26], $0x8000, s28, s26, $0x38;
	[tilespmem:$0x19400] =	vst v63  }
0x13b: {  	s24 =	sadd.s32 @!p3 s3, s24;
	s25 =	simm.s32 @!p3 $0x10000  }
0x13c: {  	[tilespmem:s25], [sflag:$0x1] =	stream.linear.gather @!p3 [hbm4b:s24+s29], $0x800, $0x38;
	[tilespmem:$0x19400] =	vst v63  }
0x13d: {  	_ =	swait.ge [sflag:s21], $0x8000  }
0x13e: {  	[sflag:s21] =	ssyncset.done $0x0  }
0x13f: {  	[sflag:s21] =	ssyncadd.s32 $0xFFFF8000  }
0x140: {  	_ =	swait.ge [sflag:s21], $0x800  }
0x141: {  	[sflag:s21] =	ssyncset.done $0x0  }
0x142: {  	s24 =	simm.s32 $0x0;
	[sflag:s21] =	ssyncadd.s32 $0xFFFFF800  }
0x143: {  	v4 =	vld [tilespmem:s24+$0x10800];
	_ =	sdelay $0x5  }
0x144: {  	v5 =	vshll.u32 v4, $0x5  }
0x145: {  	v6 =	vbroadcast v5, $0x0  }
0x146: {  	s24 =	simm.s32 $0x8400;
	[tilespmem:v4+s19+$0x0] =	vst.idx.add.f32.msk vm0, v2  }
0x147: {  	v4 =	vor.u32 v0, v6;
	v7 =	vld [tilespmem:s24+$0xFFFFFC00];
	_ =	sdelay $0x4  }
0x148: {  	[tilespmem:v4+s20+$0x0] =	vst.idx.add.f32.msk $0xffff, v7  }
0x149: {  	v6 =	vor.u32 v3, v6;
	v4 =	vld [tilespmem:s24+$0xFFFFFC10];
	_ =	sdelay $0x3  }
0x14a: {  	v7 =	vbroadcast v5, $0x1  }
0x14b: {  	[tilespmem:v6+s20+$0x0] =	vst.idx.add.f32.msk $0xffff, v4  }
0x14c: {  	v4 =	vor.u32 v0, v7;
	v6 =	vld [tilespmem:s24+$0xFFFFFC80];
	_ =	sdelay $0x4  }
0x14d: {  	[tilespmem:v4+s20+$0x0] =	vst.idx.add.f32.msk $0xffff, v6  }
0x14e: {  	v6 =	vor.u32 v3, v7;
	v4 =	vld [tilespmem:s24+$0xFFFFFC90];
	_ =	sdelay $0x3  }
0x14f: {  	v7 =	vbroadcast v5, $0x2  }
0x150: {  	[tilespmem:v6+s20+$0x0] =	vst.idx.add.f32.msk $0xffff, v4  }
0x151: {  	v4 =	vor.u32 v0, v7;
	v6 =	vld [tilespmem:s24+$0xFFFFFD00];
	_ =	sdelay $0x4  }
0x152: {  	[tilespmem:v4+s20+$0x0] =	vst.idx.add.f32.msk $0xffff, v6  }
0x153: {  	v6 =	vor.u32 v3, v7;
	v4 =	vld [tilespmem:s24+$0xFFFFFD10];
	_ =	sdelay $0x3  }
0x154: {  	v7 =	vbroadcast v5, $0x3  }
0x155: {  	[tilespmem:v6+s20+$0x0] =	vst.idx.add.f32.msk $0xffff, v4  }
0x156: {  	v4 =	vor.u32 v0, v7;
	v6 =	vld [tilespmem:s24+$0xFFFFFD80];
	_ =	sdelay $0x4  }
0x157: {  	[tilespmem:v4+s20+$0x0] =	vst.idx.add.f32.msk $0xffff, v6  }
0x158: {  	v6 =	vor.u32 v3, v7;
	v4 =	vld [tilespmem:s24+$0xFFFFFD90];
	_ =	sdelay $0x3  }
0x159: {  	v7 =	vbroadcast v5, $0x4  }
0x15a: {  	[tilespmem:v6+s20+$0x0] =	vst.idx.add.f32.msk $0xffff, v4  }
0x15b: {  	v4 =	vor.u32 v0, v7;
	v6 =	vld [tilespmem:s24+$0xFFFFFE00];
	_ =	sdelay $0x4  }
0x15c: {  	[tilespmem:v4+s20+$0x0] =	vst.idx.add.f32.msk $0xffff, v6  }
0x15d: {  	v6 =	vor.u32 v3, v7;
	v4 =	vld [tilespmem:s24+$0xFFFFFE10];
	_ =	sdelay $0x3  }
0x15e: {  	v7 =	vbroadcast v5, $0x5  }
0x15f: {  	[tilespmem:v6+s20+$0x0] =	vst.idx.add.f32.msk $0xffff, v4  }
0x160: {  	v4 =	vor.u32 v0, v7;
	v6 =	vld [tilespmem:s24+$0xFFFFFE80];
	_ =	sdelay $0x4  }
0x161: {  	[tilespmem:v4+s20+$0x0] =	vst.idx.add.f32.msk $0xffff, v6  }
0x162: {  	v6 =	vor.u32 v3, v7;
	v4 =	vld [tilespmem:s24+$0xFFFFFE90];
	_ =	sdelay $0x3  }
0x163: {  	v7 =	vbroadcast v5, $0x6  }
0x164: {  	[tilespmem:v6+s20+$0x0] =	vst.idx.add.f32.msk $0xffff, v4  }
0x165: {  	v4 =	vor.u32 v0, v7;
	v6 =	vld [tilespmem:s24+$0xFFFFFF00];
	_ =	sdelay $0x4  }
0x166: {  	[tilespmem:v4+s20+$0x0] =	vst.idx.add.f32.msk $0xffff, v6  }
0x167: {  	v6 =	vor.u32 v3, v7;
	v4 =	vld [tilespmem:s24+$0xFFFFFF10];
	_ =	sdelay $0x3  }
0x168: {  	v7 =	vbroadcast v5, $0x7  }
0x169: {  	[tilespmem:v6+s20+$0x0] =	vst.idx.add.f32.msk $0xffff, v4  }
0x16a: {  	v4 =	vor.u32 v0, v7;
	v6 =	vld [tilespmem:s24+$0xFFFFFF80];
	_ =	sdelay $0x4  }
0x16b: {  	[tilespmem:v4+s20+$0x0] =	vst.idx.add.f32.msk $0xffff, v6  }
0x16c: {  	v6 =	vor.u32 v3, v7;
	v4 =	vld [tilespmem:s24+$0xFFFFFF90];
	_ =	sdelay $0x3  }
0x16d: {  	v7 =	vbroadcast v5, $0x8  }
0x16e: {  	[tilespmem:v6+s20+$0x0] =	vst.idx.add.f32.msk $0xffff, v4  }
0x16f: {  	v4 =	vor.u32 v0, v7;
	v6 =	vld [tilespmem:s24+$0x0];
	_ =	sdelay $0x4  }
0x170: {  	[tilespmem:v4+s20+$0x0] =	vst.idx.add.f32.msk $0xffff, v6  }
0x171: {  	v6 =	vor.u32 v3, v7;
	v4 =	vld [tilespmem:s24+$0x10];
	_ =	sdelay $0x3  }
0x172: {  	v7 =	vbroadcast v5, $0x9  }
0x173: {  	[tilespmem:v6+s20+$0x0] =	vst.idx.add.f32.msk $0xffff, v4  }
0x174: {  	v4 =	vor.u32 v0, v7;
	v6 =	vld [tilespmem:s24+$0x80];
	_ =	sdelay $0x4  }
0x175: {  	[tilespmem:v4+s20+$0x0] =	vst.idx.add.f32.msk $0xffff, v6  }
0x176: {  	v6 =	vor.u32 v3, v7;
	v4 =	vld [tilespmem:s24+$0x90];
	_ =	sdelay $0x3  }
0x177: {  	v7 =	vbroadcast v5, $0xA  }
0x178: {  	[tilespmem:v6+s20+$0x0] =	vst.idx.add.f32.msk $0xffff, v4  }
0x179: {  	v4 =	vor.u32 v0, v7;
	v6 =	vld [tilespmem:s24+$0x100];
	_ =	sdelay $0x4  }
0x17a: {  	[tilespmem:v4+s20+$0x0] =	vst.idx.add.f32.msk $0xffff, v6  }
0x17b: {  	v6 =	vor.u32 v3, v7;
	v4 =	vld [tilespmem:s24+$0x110];
	_ =	sdelay $0x3  }
0x17c: {  	v7 =	vbroadcast v5, $0xB  }
0x17d: {  	[tilespmem:v6+s20+$0x0] =	vst.idx.add.f32.msk $0xffff, v4  }
0x17e: {  	v4 =	vor.u32 v0, v7;
	v6 =	vld [tilespmem:s24+$0x180];
	_ =	sdelay $0x4  }
0x17f: {  	[tilespmem:v4+s20+$0x0] =	vst.idx.add.f32.msk $0xffff, v6  }
0x180: {  	v6 =	vor.u32 v3, v7;
	v4 =	vld [tilespmem:s24+$0x190];
	_ =	sdelay $0x3  }
0x181: {  	v7 =	vbroadcast v5, $0xC  }
0x182: {  	[tilespmem:v6+s20+$0x0] =	vst.idx.add.f32.msk $0xffff, v4  }
0x183: {  	v4 =	vor.u32 v0, v7;
	v6 =	vld [tilespmem:s24+$0x200];
	_ =	sdelay $0x4  }
0x184: {  	[tilespmem:v4+s20+$0x0] =	vst.idx.add.f32.msk $0xffff, v6  }
0x185: {  	v6 =	vor.u32 v3, v7;
	v4 =	vld [tilespmem:s24+$0x210];
	_ =	sdelay $0x3  }
0x186: {  	v7 =	vbroadcast v5, $0xD  }
0x187: {  	[tilespmem:v6+s20+$0x0] =	vst.idx.add.f32.msk $0xffff, v4  }
0x188: {  	v4 =	vor.u32 v0, v7;
	v6 =	vld [tilespmem:s24+$0x280];
	_ =	sdelay $0x4  }
0x189: {  	[tilespmem:v4+s20+$0x0] =	vst.idx.add.f32.msk $0xffff, v6  }
0x18a: {  	v6 =	vor.u32 v3, v7;
	v4 =	vld [tilespmem:s24+$0x290];
	_ =	sdelay $0x1  }
0x18b: {  	(v2sf) =	vpush v5, $0xF;
	_ =	sdelay $0x1  }
0x18c: {  	v5 =	vbroadcast v5, $0xE  }
0x18d: {  	[tilespmem:v6+s20+$0x0] =	vst.idx.add.f32.msk $0xffff, v4  }
0x18e: {  	v4 =	vor.u32 v0, v5;
	v6 =	vld [tilespmem:s24+$0x300];
	_ =	sdelay $0x4  }
0x18f: {  	[tilespmem:v4+s20+$0x0] =	vst.idx.add.f32.msk $0xffff, v6  }
0x190: {  	v5 =	vor.u32 v3, v5;
	v4 =	vld [tilespmem:s24+$0x310];
	_ =	sdelay $0x4  }
0x191: {  	s26 =	spop (v2sf);
	[tilespmem:v5+s20+$0x0] =	vst.idx.add.f32.msk $0xffff, v4  }
0x192: {  	v4 =	vor.u32 s26, v0;
	v5 =	vld [tilespmem:s24+$0x380];
	_ =	sdelay $0x4  }
0x193: {  	[tilespmem:v4+s20+$0x0] =	vst.idx.add.f32.msk $0xffff, v5  }
0x194: {  	s25 =	simm.s32 $0x200;
	s28 =	simm.s32 $0x400;
	v5 =	vor.u32 s26, v3;
	v4 =	vld [tilespmem:s24+$0x390]  }
.LBB2_12:
0x195: {  	_ =	sdelay $0x2  }
0x196: {  	s29 =	sshra.s32 s25, $0x2  }
0x197: {  	s24 =	sadd.s32 $0x800, s24;
	s25 =	smov.u32 s28;
	s26 =	sadd.s32 $0x200, s28;
	[tilespmem:v5+s20+$0x0] =	vst.idx.add.f32.msk $0xffff, v4  }
0x198: {  	p2 =	sne.s32 s28, $0x1E00;
	v4 =	vld [tilespmem:s29+$0x10800];
	_ =	sdelay $0x4  }
0x199: {  	v12 =	vshll.u32 v4, $0x5  }
0x19a: {  	v13 =	vbroadcast v12, $0x0;
	v14 =	vbroadcast v12, $0x1;
	(v2sf) =	vpush v12, $0xF  }
0x19b: {  	v15 =	vbroadcast v12, $0x2;
	v16 =	vbroadcast v12, $0x3  }
0x19c: {  	v17 =	vbroadcast v12, $0x4;
	v18 =	vbroadcast v12, $0x5;
	[tilespmem:v4+s19+$0x0] =	vst.idx.add.f32.msk vm0, v2  }
0x19d: {  	v21 =	vbroadcast v12, $0x6;
	v11 =	vbroadcast v12, $0x7;
	v19 =	vor.u32 v0, v13;
	v20 =	vld [tilespmem:s24+$0xFFFFFC00]  }
0x19e: {  	v10 =	vbroadcast v12, $0x8;
	v9 =	vbroadcast v12, $0x9  }
0x19f: {  	v8 =	vbroadcast v12, $0xA;
	v7 =	vbroadcast v12, $0xB  }
0x1a0: {  	v6 =	vbroadcast v12, $0xC;
	v5 =	vbroadcast v12, $0xD  }
0x1a1: {  	v4 =	vbroadcast v12, $0xE  }
0x1a2: {  	[tilespmem:v19+s20+$0x0] =	vst.idx.add.f32.msk $0xffff, v20  }
0x1a3: {  	v13 =	vor.u32 v3, v13;
	v12 =	vld [tilespmem:s24+$0xFFFFFC10];
	_ =	sdelay $0x4  }
0x1a4: {  	[tilespmem:v13+s20+$0x0] =	vst.idx.add.f32.msk $0xffff, v12  }
0x1a5: {  	v12 =	vor.u32 v0, v14;
	v13 =	vld [tilespmem:s24+$0xFFFFFC80];
	s28 =	spop (v2sf);
	_ =	sdelay $0x4  }
0x1a6: {  	[tilespmem:v12+s20+$0x0] =	vst.idx.add.f32.msk $0xffff, v13  }
0x1a7: {  	v13 =	vor.u32 v3, v14;
	v12 =	vld [tilespmem:s24+$0xFFFFFC90];
	_ =	sdelay $0x4  }
0x1a8: {  	[tilespmem:v13+s20+$0x0] =	vst.idx.add.f32.msk $0xffff, v12  }
0x1a9: {  	v12 =	vor.u32 v0, v15;
	v13 =	vld [tilespmem:s24+$0xFFFFFD00];
	_ =	sdelay $0x4  }
0x1aa: {  	[tilespmem:v12+s20+$0x0] =	vst.idx.add.f32.msk $0xffff, v13  }
0x1ab: {  	v13 =	vor.u32 v3, v15;
	v12 =	vld [tilespmem:s24+$0xFFFFFD10];
	_ =	sdelay $0x4  }
0x1ac: {  	[tilespmem:v13+s20+$0x0] =	vst.idx.add.f32.msk $0xffff, v12  }
0x1ad: {  	v12 =	vor.u32 v0, v16;
	v13 =	vld [tilespmem:s24+$0xFFFFFD80];
	_ =	sdelay $0x4  }
0x1ae: {  	[tilespmem:v12+s20+$0x0] =	vst.idx.add.f32.msk $0xffff, v13  }
0x1af: {  	v13 =	vor.u32 v3, v16;
	v12 =	vld [tilespmem:s24+$0xFFFFFD90];
	_ =	sdelay $0x4  }
0x1b0: {  	[tilespmem:v13+s20+$0x0] =	vst.idx.add.f32.msk $0xffff, v12  }
0x1b1: {  	v12 =	vor.u32 v0, v17;
	v13 =	vld [tilespmem:s24+$0xFFFFFE00];
	_ =	sdelay $0x4  }
0x1b2: {  	[tilespmem:v12+s20+$0x0] =	vst.idx.add.f32.msk $0xffff, v13  }
0x1b3: {  	v13 =	vor.u32 v3, v17;
	v12 =	vld [tilespmem:s24+$0xFFFFFE10];
	_ =	sdelay $0x4  }
0x1b4: {  	[tilespmem:v13+s20+$0x0] =	vst.idx.add.f32.msk $0xffff, v12  }
0x1b5: {  	v12 =	vor.u32 v0, v18;
	v13 =	vld [tilespmem:s24+$0xFFFFFE80];
	_ =	sdelay $0x4  }
0x1b6: {  	[tilespmem:v12+s20+$0x0] =	vst.idx.add.f32.msk $0xffff, v13  }
0x1b7: {  	v13 =	vor.u32 v3, v18;
	v12 =	vld [tilespmem:s24+$0xFFFFFE90];
	_ =	sdelay $0x4  }
0x1b8: {  	[tilespmem:v13+s20+$0x0] =	vst.idx.add.f32.msk $0xffff, v12  }
0x1b9: {  	v12 =	vor.u32 v0, v21;
	v13 =	vld [tilespmem:s24+$0xFFFFFF00];
	_ =	sdelay $0x4  }
0x1ba: {  	[tilespmem:v12+s20+$0x0] =	vst.idx.add.f32.msk $0xffff, v13  }
0x1bb: {  	v13 =	vor.u32 v3, v21;
	v12 =	vld [tilespmem:s24+$0xFFFFFF10];
	_ =	sdelay $0x4  }
0x1bc: {  	[tilespmem:v13+s20+$0x0] =	vst.idx.add.f32.msk $0xffff, v12  }
0x1bd: {  	v12 =	vor.u32 v0, v11;
	v13 =	vld [tilespmem:s24+$0xFFFFFF80];
	_ =	sdelay $0x4  }
0x1be: {  	[tilespmem:v12+s20+$0x0] =	vst.idx.add.f32.msk $0xffff, v13  }
0x1bf: {  	v11 =	vor.u32 v3, v11;
	v12 =	vld [tilespmem:s24+$0xFFFFFF90];
	_ =	sdelay $0x4  }
0x1c0: {  	[tilespmem:v11+s20+$0x0] =	vst.idx.add.f32.msk $0xffff, v12  }
0x1c1: {  	v11 =	vor.u32 v0, v10;
	v12 =	vld [tilespmem:s24+$0x0];
	_ =	sdelay $0x4  }
0x1c2: {  	[tilespmem:v11+s20+$0x0] =	vst.idx.add.f32.msk $0xffff, v12  }
0x1c3: {  	v10 =	vor.u32 v3, v10;
	v11 =	vld [tilespmem:s24+$0x10];
	_ =	sdelay $0x4  }
0x1c4: {  	[tilespmem:v10+s20+$0x0] =	vst.idx.add.f32.msk $0xffff, v11  }
0x1c5: {  	v10 =	vor.u32 v0, v9;
	v11 =	vld [tilespmem:s24+$0x80];
	_ =	sdelay $0x4  }
0x1c6: {  	[tilespmem:v10+s20+$0x0] =	vst.idx.add.f32.msk $0xffff, v11  }
0x1c7: {  	v9 =	vor.u32 v3, v9;
	v10 =	vld [tilespmem:s24+$0x90];
	_ =	sdelay $0x4  }
0x1c8: {  	[tilespmem:v9+s20+$0x0] =	vst.idx.add.f32.msk $0xffff, v10  }
0x1c9: {  	v9 =	vor.u32 v0, v8;
	v10 =	vld [tilespmem:s24+$0x100];
	_ =	sdelay $0x4  }
0x1ca: {  	[tilespmem:v9+s20+$0x0] =	vst.idx.add.f32.msk $0xffff, v10  }
0x1cb: {  	v8 =	vor.u32 v3, v8;
	v9 =	vld [tilespmem:s24+$0x110];
	_ =	sdelay $0x4  }
0x1cc: {  	[tilespmem:v8+s20+$0x0] =	vst.idx.add.f32.msk $0xffff, v9  }
0x1cd: {  	v8 =	vor.u32 v0, v7;
	v9 =	vld [tilespmem:s24+$0x180];
	_ =	sdelay $0x4  }
0x1ce: {  	[tilespmem:v8+s20+$0x0] =	vst.idx.add.f32.msk $0xffff, v9  }
0x1cf: {  	v7 =	vor.u32 v3, v7;
	v8 =	vld [tilespmem:s24+$0x190];
	_ =	sdelay $0x4  }
0x1d0: {  	[tilespmem:v7+s20+$0x0] =	vst.idx.add.f32.msk $0xffff, v8  }
0x1d1: {  	v7 =	vor.u32 v0, v6;
	v8 =	vld [tilespmem:s24+$0x200];
	_ =	sdelay $0x4  }
0x1d2: {  	[tilespmem:v7+s20+$0x0] =	vst.idx.add.f32.msk $0xffff, v8  }
0x1d3: {  	v6 =	vor.u32 v3, v6;
	v7 =	vld [tilespmem:s24+$0x210];
	_ =	sdelay $0x4  }
0x1d4: {  	[tilespmem:v6+s20+$0x0] =	vst.idx.add.f32.msk $0xffff, v7  }
0x1d5: {  	v6 =	vor.u32 v0, v5;
	v7 =	vld [tilespmem:s24+$0x280];
	_ =	sdelay $0x4  }
0x1d6: {  	[tilespmem:v6+s20+$0x0] =	vst.idx.add.f32.msk $0xffff, v7  }
0x1d7: {  	v5 =	vor.u32 v3, v5;
	v6 =	vld [tilespmem:s24+$0x290];
	_ =	sdelay $0x4  }
0x1d8: {  	[tilespmem:v5+s20+$0x0] =	vst.idx.add.f32.msk $0xffff, v6  }
0x1d9: {  	v5 =	vor.u32 v0, v4;
	v6 =	vld [tilespmem:s24+$0x300];
	_ =	sdelay $0x4  }
0x1da: {  	[tilespmem:v5+s20+$0x0] =	vst.idx.add.f32.msk $0xffff, v6  }
0x1db: {  	v4 =	vor.u32 v3, v4;
	v5 =	vld [tilespmem:s24+$0x310];
	_ =	sdelay $0x4  }
0x1dc: {  	[tilespmem:v4+s20+$0x0] =	vst.idx.add.f32.msk $0xffff, v5  }
0x1dd: {  	v4 =	vor.u32 s28, v0;
	v5 =	vld [tilespmem:s24+$0x380];
	_ =	sdelay $0x1  }
.Ltmp10:
0x1de: {  	(pc) =	sbr.rel @p2 .LBB2_12-.Ltmp10, $3  }
0x1df: {  	_ =	sdelay $0x1  }
0x1e0: {  	[tilespmem:v4+s20+$0x0] =	vst.idx.add.f32.msk $0xffff, v5  }
0x1e1: {  	v5 =	vor.u32 s28, v3;
	s28 =	smov.u32 s26;
	v4 =	vld [tilespmem:s24+$0x390]  }
0x1e2: {  	_ =	sdelay $0x3  }
0x1e3: {  	s25 =	sshra.s32 s25, $0x2;
	[tilespmem:v5+s20+$0x0] =	vst.idx.add.f32.msk $0xffff, v4  }
0x1e4: {  	v4 =	vld [tilespmem:s25+$0x10800];
	_ =	sdelay $0x5  }
0x1e5: {  	v5 =	vshll.u32 v4, $0x5  }
0x1e6: {  	v6 =	vbroadcast v5, $0x0  }
0x1e7: {  	s24 =	sadd.s32 $0x800, s24;
	[tilespmem:v4+s19+$0x0] =	vst.idx.add.f32.msk vm0, v2  }
0x1e8: {  	v4 =	vor.u32 v0, v6;
	v7 =	vld [tilespmem:s24+$0xFFFFFC00];
	_ =	sdelay $0x4  }
0x1e9: {  	[tilespmem:v4+s20+$0x0] =	vst.idx.add.f32.msk $0xffff, v7  }
0x1ea: {  	v6 =	vor.u32 v3, v6;
	v4 =	vld [tilespmem:s24+$0xFFFFFC10];
	_ =	sdelay $0x3  }
0x1eb: {  	v38 =	vbroadcast v5, $0x1  }
0x1ec: {  	[tilespmem:v6+s20+$0x0] =	vst.idx.add.f32.msk $0xffff, v4  }
0x1ed: {  	v4 =	vor.u32 v0, v38;
	v6 =	vld [tilespmem:s24+$0xFFFFFC80];
	_ =	sdelay $0x4  }
0x1ee: {  	[tilespmem:v4+s20+$0x0] =	vst.idx.add.f32.msk $0xffff, v6  }
0x1ef: {  	v39 =	vor.u32 v3, v38;
	v4 =	vld [tilespmem:s24+$0xFFFFFC90];
	_ =	sdelay $0x3  }
0x1f0: {  	v40 =	vbroadcast v5, $0x2  }
0x1f1: {  	[tilespmem:v39+s20+$0x0] =	vst.idx.add.f32.msk $0xffff, v4  }
0x1f2: {  	v4 =	vor.u32 v0, v40;
	v6 =	vld [tilespmem:s24+$0xFFFFFD00];
	_ =	sdelay $0x4  }
0x1f3: {  	[tilespmem:v4+s20+$0x0] =	vst.idx.add.f32.msk $0xffff, v6  }
0x1f4: {  	v41 =	vor.u32 v3, v40;
	v4 =	vld [tilespmem:s24+$0xFFFFFD10];
	_ =	sdelay $0x3  }
0x1f5: {  	v42 =	vbroadcast v5, $0x3  }
0x1f6: {  	[tilespmem:v41+s20+$0x0] =	vst.idx.add.f32.msk $0xffff, v4  }
0x1f7: {  	v4 =	vor.u32 v0, v42;
	v6 =	vld [tilespmem:s24+$0xFFFFFD80];
	_ =	sdelay $0x4  }
0x1f8: {  	[tilespmem:v4+s20+$0x0] =	vst.idx.add.f32.msk $0xffff, v6  }
0x1f9: {  	v43 =	vor.u32 v3, v42;
	v4 =	vld [tilespmem:s24+$0xFFFFFD90];
	_ =	sdelay $0x3  }
0x1fa: {  	v44 =	vbroadcast v5, $0x4  }
0x1fb: {  	[tilespmem:v43+s20+$0x0] =	vst.idx.add.f32.msk $0xffff, v4  }
0x1fc: {  	v4 =	vor.u32 v0, v44;
	v6 =	vld [tilespmem:s24+$0xFFFFFE00];
	_ =	sdelay $0x4  }
0x1fd: {  	[tilespmem:v4+s20+$0x0] =	vst.idx.add.f32.msk $0xffff, v6  }
0x1fe: {  	v45 =	vor.u32 v3, v44;
	v4 =	vld [tilespmem:s24+$0xFFFFFE10];
	_ =	sdelay $0x3  }
0x1ff: {  	v46 =	vbroadcast v5, $0x5  }
0x200: {  	[tilespmem:v45+s20+$0x0] =	vst.idx.add.f32.msk $0xffff, v4  }
0x201: {  	v4 =	vor.u32 v0, v46;
	v6 =	vld [tilespmem:s24+$0xFFFFFE80];
	_ =	sdelay $0x4  }
0x202: {  	[tilespmem:v4+s20+$0x0] =	vst.idx.add.f32.msk $0xffff, v6  }
0x203: {  	v47 =	vor.u32 v3, v46;
	v4 =	vld [tilespmem:s24+$0xFFFFFE90];
	_ =	sdelay $0x3  }
0x204: {  	v48 =	vbroadcast v5, $0x6  }
0x205: {  	[tilespmem:v47+s20+$0x0] =	vst.idx.add.f32.msk $0xffff, v4  }
0x206: {  	v4 =	vor.u32 v0, v48;
	v6 =	vld [tilespmem:s24+$0xFFFFFF00];
	_ =	sdelay $0x4  }
0x207: {  	[tilespmem:v4+s20+$0x0] =	vst.idx.add.f32.msk $0xffff, v6  }
0x208: {  	v49 =	vor.u32 v3, v48;
	v4 =	vld [tilespmem:s24+$0xFFFFFF10];
	_ =	sdelay $0x3  }
0x209: {  	v50 =	vbroadcast v5, $0x7  }
0x20a: {  	[tilespmem:v49+s20+$0x0] =	vst.idx.add.f32.msk $0xffff, v4  }
0x20b: {  	v4 =	vor.u32 v0, v50;
	v6 =	vld [tilespmem:s24+$0xFFFFFF80];
	_ =	sdelay $0x4  }
0x20c: {  	[tilespmem:v4+s20+$0x0] =	vst.idx.add.f32.msk $0xffff, v6  }
0x20d: {  	v51 =	vor.u32 v3, v50;
	v4 =	vld [tilespmem:s24+$0xFFFFFF90];
	_ =	sdelay $0x3  }
0x20e: {  	v52 =	vbroadcast v5, $0x8  }
0x20f: {  	[tilespmem:v51+s20+$0x0] =	vst.idx.add.f32.msk $0xffff, v4  }
0x210: {  	v4 =	vor.u32 v0, v52;
	v6 =	vld [tilespmem:s24+$0x0];
	_ =	sdelay $0x4  }
0x211: {  	[tilespmem:v4+s20+$0x0] =	vst.idx.add.f32.msk $0xffff, v6  }
0x212: {  	v53 =	vor.u32 v3, v52;
	v4 =	vld [tilespmem:s24+$0x10];
	_ =	sdelay $0x3  }
0x213: {  	v54 =	vbroadcast v5, $0x9  }
0x214: {  	[tilespmem:v53+s20+$0x0] =	vst.idx.add.f32.msk $0xffff, v4  }
0x215: {  	v4 =	vor.u32 v0, v54;
	v6 =	vld [tilespmem:s24+$0x80];
	_ =	sdelay $0x4  }
0x216: {  	[tilespmem:v4+s20+$0x0] =	vst.idx.add.f32.msk $0xffff, v6  }
0x217: {  	v55 =	vor.u32 v3, v54;
	v4 =	vld [tilespmem:s24+$0x90];
	_ =	sdelay $0x3  }
0x218: {  	v56 =	vbroadcast v5, $0xA  }
0x219: {  	[tilespmem:v55+s20+$0x0] =	vst.idx.add.f32.msk $0xffff, v4  }
0x21a: {  	v4 =	vor.u32 v0, v56;
	v6 =	vld [tilespmem:s24+$0x100];
	_ =	sdelay $0x4  }
0x21b: {  	[tilespmem:v4+s20+$0x0] =	vst.idx.add.f32.msk $0xffff, v6  }
0x21c: {  	v57 =	vor.u32 v3, v56;
	v4 =	vld [tilespmem:s24+$0x110];
	_ =	sdelay $0x3  }
0x21d: {  	v58 =	vbroadcast v5, $0xB  }
0x21e: {  	[tilespmem:v57+s20+$0x0] =	vst.idx.add.f32.msk $0xffff, v4  }
0x21f: {  	v4 =	vor.u32 v0, v58;
	v6 =	vld [tilespmem:s24+$0x180];
	_ =	sdelay $0x4  }
0x220: {  	[tilespmem:v4+s20+$0x0] =	vst.idx.add.f32.msk $0xffff, v6  }
0x221: {  	v59 =	vor.u32 v3, v58;
	v4 =	vld [tilespmem:s24+$0x190];
	_ =	sdelay $0x3  }
0x222: {  	v60 =	vbroadcast v5, $0xC  }
0x223: {  	[tilespmem:v59+s20+$0x0] =	vst.idx.add.f32.msk $0xffff, v4  }
0x224: {  	v4 =	vor.u32 v0, v60;
	v6 =	vld [tilespmem:s24+$0x200];
	_ =	sdelay $0x4  }
0x225: {  	[tilespmem:v4+s20+$0x0] =	vst.idx.add.f32.msk $0xffff, v6  }
0x226: {  	v61 =	vor.u32 v3, v60;
	v4 =	vld [tilespmem:s24+$0x210];
	_ =	sdelay $0x3  }
0x227: {  	v62 =	vbroadcast v5, $0xD  }
0x228: {  	[tilespmem:v61+s20+$0x0] =	vst.idx.add.f32.msk $0xffff, v4  }
0x229: {  	v4 =	vor.u32 v0, v62;
	v6 =	vld [tilespmem:s24+$0x280];
	_ =	sdelay $0x4  }
0x22a: {  	[tilespmem:v4+s20+$0x0] =	vst.idx.add.f32.msk $0xffff, v6  }
0x22b: {  	v63 =	vor.u32 v3, v62;
	v4 =	vld [tilespmem:s24+$0x290];
	_ =	sdelay $0x1  }
0x22c: {  	(v2sf) =	vpush v5, $0xF;
	_ =	sdelay $0x1  }
0x22d: {  	v5 =	vbroadcast v5, $0xE  }
0x22e: {  	[tilespmem:v63+s20+$0x0] =	vst.idx.add.f32.msk $0xffff, v4  }
0x22f: {  	v4 =	vor.u32 v0, v5;
	v6 =	vld [tilespmem:s24+$0x300];
	_ =	sdelay $0x4  }
0x230: {  	[tilespmem:v4+s20+$0x0] =	vst.idx.add.f32.msk $0xffff, v6  }
0x231: {  	v5 =	vor.u32 v3, v5;
	v4 =	vld [tilespmem:s24+$0x310];
	_ =	sdelay $0x4  }
0x232: {  	s31 =	spop (v2sf);
	[tilespmem:v5+s20+$0x0] =	vst.idx.add.f32.msk $0xffff, v4  }
0x233: {  	v4 =	vor.u32 s31, v0;
	v5 =	vld [tilespmem:s24+$0x380];
	_ =	sdelay $0x4  }
0x234: {  	[tilespmem:v4+s20+$0x0] =	vst.idx.add.f32.msk $0xffff, v5  }
0x235: {  	v5 =	vor.u32 s31, v3;
	v4 =	vld [tilespmem:s24+$0x390]  }
.Ltmp11:
0x236: {  	_ = 	snop;
	(pc) =	sbr.rel .LBB2_14-.Ltmp11, $2  }
0x237: {  	_ =	sdelay $0x2  }
0x238: {  	[tilespmem:v5+s20+$0x0] =	vst.idx.add.f32.msk $0xffff, v4  }
.LBB2_16:
0x239: {  	s23 =	simm.s32 $0x0  }
0x23a: {  	[tilespmem:s23], [sflag:$0x1] =	stream.strided.gather [hbm4b:s9+s15], $0x5000, s16, s15, $0x38;
	[tilespmem:$0x19400] =	vst v63  }
0x23b: {  	_ = 	snop  }
0x23c: {  	[tilespmem:s17], [sflag:$0x1] =	stream.linear.gather [hbm4b:s10+s23], $0x500, $0x38;
	[tilespmem:$0x19400] =	vst v63  }
0x23d: {  	_ =	swait.ge [sflag:s18], $0x5000  }
0x23e: {  	[sflag:s18] =	ssyncset.done $0x0  }
0x23f: {  	[sflag:s18] =	ssyncadd.s32 $0xFFFFB000  }
0x240: {  	_ =	swait.ge [sflag:s18], $0x500  }
0x241: {  	[sflag:s18] =	ssyncset.done $0x0  }
0x242: {  	s31 =	simm.s32 $0x0;
	[sflag:s18] =	ssyncadd.s32 $0xFFFFFB00  }
0x243: {  	v4 =	vld [tilespmem:s31+$0x10000];
	_ =	sdelay $0x5  }
0x244: {  	v5 =	vshll.u32 v4, $0x5  }
0x245: {  	v6 =	vbroadcast v5, $0x0  }
0x246: {  	s23 =	simm.s32 $0x400;
	[tilespmem:v4+s19+$0x0] =	vst.idx.add.f32.msk vm0, v2  }
0x247: {  	v4 =	vor.u32 v0, v6;
	v7 =	vld [tilespmem:s23+$0xFFFFFC00];
	_ =	sdelay $0x4  }
0x248: {  	[tilespmem:v4+s20+$0x0] =	vst.idx.add.f32.msk $0xffff, v7  }
0x249: {  	v6 =	vor.u32 v3, v6;
	v4 =	vld [tilespmem:s23+$0xFFFFFC10];
	_ =	sdelay $0x3  }
0x24a: {  	v7 =	vbroadcast v5, $0x1  }
0x24b: {  	[tilespmem:v6+s20+$0x0] =	vst.idx.add.f32.msk $0xffff, v4  }
0x24c: {  	v4 =	vor.u32 v0, v7;
	v6 =	vld [tilespmem:s23+$0xFFFFFC80];
	_ =	sdelay $0x4  }
0x24d: {  	[tilespmem:v4+s20+$0x0] =	vst.idx.add.f32.msk $0xffff, v6  }
0x24e: {  	v6 =	vor.u32 v3, v7;
	v4 =	vld [tilespmem:s23+$0xFFFFFC90];
	_ =	sdelay $0x3  }
0x24f: {  	v7 =	vbroadcast v5, $0x2  }
0x250: {  	[tilespmem:v6+s20+$0x0] =	vst.idx.add.f32.msk $0xffff, v4  }
0x251: {  	v4 =	vor.u32 v0, v7;
	v6 =	vld [tilespmem:s23+$0xFFFFFD00];
	_ =	sdelay $0x4  }
0x252: {  	[tilespmem:v4+s20+$0x0] =	vst.idx.add.f32.msk $0xffff, v6  }
0x253: {  	v6 =	vor.u32 v3, v7;
	v4 =	vld [tilespmem:s23+$0xFFFFFD10];
	_ =	sdelay $0x3  }
0x254: {  	v7 =	vbroadcast v5, $0x3  }
0x255: {  	[tilespmem:v6+s20+$0x0] =	vst.idx.add.f32.msk $0xffff, v4  }
0x256: {  	v4 =	vor.u32 v0, v7;
	v6 =	vld [tilespmem:s23+$0xFFFFFD80];
	_ =	sdelay $0x4  }
0x257: {  	[tilespmem:v4+s20+$0x0] =	vst.idx.add.f32.msk $0xffff, v6  }
0x258: {  	v6 =	vor.u32 v3, v7;
	v4 =	vld [tilespmem:s23+$0xFFFFFD90];
	_ =	sdelay $0x3  }
0x259: {  	v7 =	vbroadcast v5, $0x4  }
0x25a: {  	[tilespmem:v6+s20+$0x0] =	vst.idx.add.f32.msk $0xffff, v4  }
0x25b: {  	v4 =	vor.u32 v0, v7;
	v6 =	vld [tilespmem:s23+$0xFFFFFE00];
	_ =	sdelay $0x4  }
0x25c: {  	[tilespmem:v4+s20+$0x0] =	vst.idx.add.f32.msk $0xffff, v6  }
0x25d: {  	v6 =	vor.u32 v3, v7;
	v4 =	vld [tilespmem:s23+$0xFFFFFE10];
	_ =	sdelay $0x3  }
0x25e: {  	v7 =	vbroadcast v5, $0x5  }
0x25f: {  	[tilespmem:v6+s20+$0x0] =	vst.idx.add.f32.msk $0xffff, v4  }
0x260: {  	v4 =	vor.u32 v0, v7;
	v6 =	vld [tilespmem:s23+$0xFFFFFE80];
	_ =	sdelay $0x4  }
0x261: {  	[tilespmem:v4+s20+$0x0] =	vst.idx.add.f32.msk $0xffff, v6  }
0x262: {  	v6 =	vor.u32 v3, v7;
	v4 =	vld [tilespmem:s23+$0xFFFFFE90];
	_ =	sdelay $0x3  }
0x263: {  	v7 =	vbroadcast v5, $0x6  }
0x264: {  	[tilespmem:v6+s20+$0x0] =	vst.idx.add.f32.msk $0xffff, v4  }
0x265: {  	v4 =	vor.u32 v0, v7;
	v6 =	vld [tilespmem:s23+$0xFFFFFF00];
	_ =	sdelay $0x4  }
0x266: {  	[tilespmem:v4+s20+$0x0] =	vst.idx.add.f32.msk $0xffff, v6  }
0x267: {  	v6 =	vor.u32 v3, v7;
	v4 =	vld [tilespmem:s23+$0xFFFFFF10];
	_ =	sdelay $0x3  }
0x268: {  	v7 =	vbroadcast v5, $0x7  }
0x269: {  	[tilespmem:v6+s20+$0x0] =	vst.idx.add.f32.msk $0xffff, v4  }
0x26a: {  	v4 =	vor.u32 v0, v7;
	v6 =	vld [tilespmem:s23+$0xFFFFFF80];
	_ =	sdelay $0x4  }
0x26b: {  	[tilespmem:v4+s20+$0x0] =	vst.idx.add.f32.msk $0xffff, v6  }
0x26c: {  	v6 =	vor.u32 v3, v7;
	v4 =	vld [tilespmem:s23+$0xFFFFFF90];
	_ =	sdelay $0x3  }
0x26d: {  	v7 =	vbroadcast v5, $0x8  }
0x26e: {  	[tilespmem:v6+s20+$0x0] =	vst.idx.add.f32.msk $0xffff, v4  }
0x26f: {  	v4 =	vor.u32 v0, v7;
	v6 =	vld [tilespmem:s23+$0x0];
	_ =	sdelay $0x4  }
0x270: {  	[tilespmem:v4+s20+$0x0] =	vst.idx.add.f32.msk $0xffff, v6  }
0x271: {  	v6 =	vor.u32 v3, v7;
	v4 =	vld [tilespmem:s23+$0x10];
	_ =	sdelay $0x3  }
0x272: {  	v7 =	vbroadcast v5, $0x9  }
0x273: {  	[tilespmem:v6+s20+$0x0] =	vst.idx.add.f32.msk $0xffff, v4  }
0x274: {  	v4 =	vor.u32 v0, v7;
	v6 =	vld [tilespmem:s23+$0x80];
	_ =	sdelay $0x4  }
0x275: {  	[tilespmem:v4+s20+$0x0] =	vst.idx.add.f32.msk $0xffff, v6  }
0x276: {  	v6 =	vor.u32 v3, v7;
	v4 =	vld [tilespmem:s23+$0x90];
	_ =	sdelay $0x3  }
0x277: {  	v7 =	vbroadcast v5, $0xA  }
0x278: {  	[tilespmem:v6+s20+$0x0] =	vst.idx.add.f32.msk $0xffff, v4  }
0x279: {  	v4 =	vor.u32 v0, v7;
	v6 =	vld [tilespmem:s23+$0x100];
	_ =	sdelay $0x4  }
0x27a: {  	[tilespmem:v4+s20+$0x0] =	vst.idx.add.f32.msk $0xffff, v6  }
0x27b: {  	v6 =	vor.u32 v3, v7;
	v4 =	vld [tilespmem:s23+$0x110];
	_ =	sdelay $0x3  }
0x27c: {  	v7 =	vbroadcast v5, $0xB  }
0x27d: {  	[tilespmem:v6+s20+$0x0] =	vst.idx.add.f32.msk $0xffff, v4  }
0x27e: {  	v4 =	vor.u32 v0, v7;
	v6 =	vld [tilespmem:s23+$0x180];
	_ =	sdelay $0x4  }
0x27f: {  	[tilespmem:v4+s20+$0x0] =	vst.idx.add.f32.msk $0xffff, v6  }
0x280: {  	v6 =	vor.u32 v3, v7;
	v4 =	vld [tilespmem:s23+$0x190];
	_ =	sdelay $0x3  }
0x281: {  	v7 =	vbroadcast v5, $0xC  }
0x282: {  	[tilespmem:v6+s20+$0x0] =	vst.idx.add.f32.msk $0xffff, v4  }
0x283: {  	v4 =	vor.u32 v0, v7;
	v6 =	vld [tilespmem:s23+$0x200];
	_ =	sdelay $0x4  }
0x284: {  	[tilespmem:v4+s20+$0x0] =	vst.idx.add.f32.msk $0xffff, v6  }
0x285: {  	v6 =	vor.u32 v3, v7;
	v4 =	vld [tilespmem:s23+$0x210];
	_ =	sdelay $0x3  }
0x286: {  	v7 =	vbroadcast v5, $0xD  }
0x287: {  	[tilespmem:v6+s20+$0x0] =	vst.idx.add.f32.msk $0xffff, v4  }
0x288: {  	v4 =	vor.u32 v0, v7;
	v6 =	vld [tilespmem:s23+$0x280];
	_ =	sdelay $0x4  }
0x289: {  	[tilespmem:v4+s20+$0x0] =	vst.idx.add.f32.msk $0xffff, v6  }
0x28a: {  	v6 =	vor.u32 v3, v7;
	v4 =	vld [tilespmem:s23+$0x290];
	_ =	sdelay $0x1  }
0x28b: {  	(v2sf) =	vpush v5, $0xF;
	_ =	sdelay $0x1  }
0x28c: {  	v5 =	vbroadcast v5, $0xE  }
0x28d: {  	[tilespmem:v6+s20+$0x0] =	vst.idx.add.f32.msk $0xffff, v4  }
0x28e: {  	v4 =	vor.u32 v0, v5;
	v6 =	vld [tilespmem:s23+$0x300];
	_ =	sdelay $0x4  }
0x28f: {  	[tilespmem:v4+s20+$0x0] =	vst.idx.add.f32.msk $0xffff, v6  }
0x290: {  	v5 =	vor.u32 v3, v5;
	v4 =	vld [tilespmem:s23+$0x310];
	_ =	sdelay $0x4  }
0x291: {  	s25 =	spop (v2sf);
	[tilespmem:v5+s20+$0x0] =	vst.idx.add.f32.msk $0xffff, v4  }
0x292: {  	v4 =	vor.u32 s25, v0;
	v5 =	vld [tilespmem:s23+$0x380];
	_ =	sdelay $0x4  }
0x293: {  	[tilespmem:v4+s20+$0x0] =	vst.idx.add.f32.msk $0xffff, v5  }
0x294: {  	s24 =	simm.s32 $0x200;
	s26 =	simm.s32 $0x400;
	v5 =	vor.u32 s25, v3;
	v4 =	vld [tilespmem:s23+$0x390]  }
.LBB2_17:
0x295: {  	_ =	sdelay $0x2  }
0x296: {  	s28 =	sshra.s32 s24, $0x2  }
0x297: {  	s23 =	sadd.s32 $0x800, s23;
	s24 =	smov.u32 s26;
	s25 =	sadd.s32 $0x200, s26;
	[tilespmem:v5+s20+$0x0] =	vst.idx.add.f32.msk $0xffff, v4  }
0x298: {  	p2 =	sne.s32 s26, $0x1200;
	v4 =	vld [tilespmem:s28+$0x10000];
	_ =	sdelay $0x4  }
0x299: {  	v12 =	vshll.u32 v4, $0x5  }
0x29a: {  	v13 =	vbroadcast v12, $0x0;
	v14 =	vbroadcast v12, $0x1;
	(v2sf) =	vpush v12, $0xF  }
0x29b: {  	v15 =	vbroadcast v12, $0x2;
	v16 =	vbroadcast v12, $0x3  }
0x29c: {  	v17 =	vbroadcast v12, $0x4;
	v18 =	vbroadcast v12, $0x5;
	[tilespmem:v4+s19+$0x0] =	vst.idx.add.f32.msk vm0, v2  }
0x29d: {  	v21 =	vbroadcast v12, $0x6;
	v11 =	vbroadcast v12, $0x7;
	v19 =	vor.u32 v0, v13;
	v20 =	vld [tilespmem:s23+$0xFFFFFC00]  }
0x29e: {  	v10 =	vbroadcast v12, $0x8;
	v9 =	vbroadcast v12, $0x9  }
0x29f: {  	v8 =	vbroadcast v12, $0xA;
	v7 =	vbroadcast v12, $0xB  }
0x2a0: {  	v6 =	vbroadcast v12, $0xC;
	v5 =	vbroadcast v12, $0xD  }
0x2a1: {  	v4 =	vbroadcast v12, $0xE  }
0x2a2: {  	[tilespmem:v19+s20+$0x0] =	vst.idx.add.f32.msk $0xffff, v20  }
0x2a3: {  	v13 =	vor.u32 v3, v13;
	v12 =	vld [tilespmem:s23+$0xFFFFFC10];
	_ =	sdelay $0x4  }
0x2a4: {  	[tilespmem:v13+s20+$0x0] =	vst.idx.add.f32.msk $0xffff, v12  }
0x2a5: {  	v12 =	vor.u32 v0, v14;
	v13 =	vld [tilespmem:s23+$0xFFFFFC80];
	s26 =	spop (v2sf);
	_ =	sdelay $0x4  }
0x2a6: {  	[tilespmem:v12+s20+$0x0] =	vst.idx.add.f32.msk $0xffff, v13  }
0x2a7: {  	v13 =	vor.u32 v3, v14;
	v12 =	vld [tilespmem:s23+$0xFFFFFC90];
	_ =	sdelay $0x4  }
0x2a8: {  	[tilespmem:v13+s20+$0x0] =	vst.idx.add.f32.msk $0xffff, v12  }
0x2a9: {  	v12 =	vor.u32 v0, v15;
	v13 =	vld [tilespmem:s23+$0xFFFFFD00];
	_ =	sdelay $0x4  }
0x2aa: {  	[tilespmem:v12+s20+$0x0] =	vst.idx.add.f32.msk $0xffff, v13  }
0x2ab: {  	v13 =	vor.u32 v3, v15;
	v12 =	vld [tilespmem:s23+$0xFFFFFD10];
	_ =	sdelay $0x4  }
0x2ac: {  	[tilespmem:v13+s20+$0x0] =	vst.idx.add.f32.msk $0xffff, v12  }
0x2ad: {  	v12 =	vor.u32 v0, v16;
	v13 =	vld [tilespmem:s23+$0xFFFFFD80];
	_ =	sdelay $0x4  }
0x2ae: {  	[tilespmem:v12+s20+$0x0] =	vst.idx.add.f32.msk $0xffff, v13  }
0x2af: {  	v13 =	vor.u32 v3, v16;
	v12 =	vld [tilespmem:s23+$0xFFFFFD90];
	_ =	sdelay $0x4  }
0x2b0: {  	[tilespmem:v13+s20+$0x0] =	vst.idx.add.f32.msk $0xffff, v12  }
0x2b1: {  	v12 =	vor.u32 v0, v17;
	v13 =	vld [tilespmem:s23+$0xFFFFFE00];
	_ =	sdelay $0x4  }
0x2b2: {  	[tilespmem:v12+s20+$0x0] =	vst.idx.add.f32.msk $0xffff, v13  }
0x2b3: {  	v13 =	vor.u32 v3, v17;
	v12 =	vld [tilespmem:s23+$0xFFFFFE10];
	_ =	sdelay $0x4  }
0x2b4: {  	[tilespmem:v13+s20+$0x0] =	vst.idx.add.f32.msk $0xffff, v12  }
0x2b5: {  	v12 =	vor.u32 v0, v18;
	v13 =	vld [tilespmem:s23+$0xFFFFFE80];
	_ =	sdelay $0x4  }
0x2b6: {  	[tilespmem:v12+s20+$0x0] =	vst.idx.add.f32.msk $0xffff, v13  }
0x2b7: {  	v13 =	vor.u32 v3, v18;
	v12 =	vld [tilespmem:s23+$0xFFFFFE90];
	_ =	sdelay $0x4  }
0x2b8: {  	[tilespmem:v13+s20+$0x0] =	vst.idx.add.f32.msk $0xffff, v12  }
0x2b9: {  	v12 =	vor.u32 v0, v21;
	v13 =	vld [tilespmem:s23+$0xFFFFFF00];
	_ =	sdelay $0x4  }
0x2ba: {  	[tilespmem:v12+s20+$0x0] =	vst.idx.add.f32.msk $0xffff, v13  }
0x2bb: {  	v13 =	vor.u32 v3, v21;
	v12 =	vld [tilespmem:s23+$0xFFFFFF10];
	_ =	sdelay $0x4  }
0x2bc: {  	[tilespmem:v13+s20+$0x0] =	vst.idx.add.f32.msk $0xffff, v12  }
0x2bd: {  	v12 =	vor.u32 v0, v11;
	v13 =	vld [tilespmem:s23+$0xFFFFFF80];
	_ =	sdelay $0x4  }
0x2be: {  	[tilespmem:v12+s20+$0x0] =	vst.idx.add.f32.msk $0xffff, v13  }
0x2bf: {  	v11 =	vor.u32 v3, v11;
	v12 =	vld [tilespmem:s23+$0xFFFFFF90];
	_ =	sdelay $0x4  }
0x2c0: {  	[tilespmem:v11+s20+$0x0] =	vst.idx.add.f32.msk $0xffff, v12  }
0x2c1: {  	v11 =	vor.u32 v0, v10;
	v12 =	vld [tilespmem:s23+$0x0];
	_ =	sdelay $0x4  }
0x2c2: {  	[tilespmem:v11+s20+$0x0] =	vst.idx.add.f32.msk $0xffff, v12  }
0x2c3: {  	v10 =	vor.u32 v3, v10;
	v11 =	vld [tilespmem:s23+$0x10];
	_ =	sdelay $0x4  }
0x2c4: {  	[tilespmem:v10+s20+$0x0] =	vst.idx.add.f32.msk $0xffff, v11  }
0x2c5: {  	v10 =	vor.u32 v0, v9;
	v11 =	vld [tilespmem:s23+$0x80];
	_ =	sdelay $0x4  }
0x2c6: {  	[tilespmem:v10+s20+$0x0] =	vst.idx.add.f32.msk $0xffff, v11  }
0x2c7: {  	v9 =	vor.u32 v3, v9;
	v10 =	vld [tilespmem:s23+$0x90];
	_ =	sdelay $0x4  }
0x2c8: {  	[tilespmem:v9+s20+$0x0] =	vst.idx.add.f32.msk $0xffff, v10  }
0x2c9: {  	v9 =	vor.u32 v0, v8;
	v10 =	vld [tilespmem:s23+$0x100];
	_ =	sdelay $0x4  }
0x2ca: {  	[tilespmem:v9+s20+$0x0] =	vst.idx.add.f32.msk $0xffff, v10  }
0x2cb: {  	v8 =	vor.u32 v3, v8;
	v9 =	vld [tilespmem:s23+$0x110];
	_ =	sdelay $0x4  }
0x2cc: {  	[tilespmem:v8+s20+$0x0] =	vst.idx.add.f32.msk $0xffff, v9  }
0x2cd: {  	v8 =	vor.u32 v0, v7;
	v9 =	vld [tilespmem:s23+$0x180];
	_ =	sdelay $0x4  }
0x2ce: {  	[tilespmem:v8+s20+$0x0] =	vst.idx.add.f32.msk $0xffff, v9  }
0x2cf: {  	v7 =	vor.u32 v3, v7;
	v8 =	vld [tilespmem:s23+$0x190];
	_ =	sdelay $0x4  }
0x2d0: {  	[tilespmem:v7+s20+$0x0] =	vst.idx.add.f32.msk $0xffff, v8  }
0x2d1: {  	v7 =	vor.u32 v0, v6;
	v8 =	vld [tilespmem:s23+$0x200];
	_ =	sdelay $0x4  }
0x2d2: {  	[tilespmem:v7+s20+$0x0] =	vst.idx.add.f32.msk $0xffff, v8  }
0x2d3: {  	v6 =	vor.u32 v3, v6;
	v7 =	vld [tilespmem:s23+$0x210];
	_ =	sdelay $0x4  }
0x2d4: {  	[tilespmem:v6+s20+$0x0] =	vst.idx.add.f32.msk $0xffff, v7  }
0x2d5: {  	v6 =	vor.u32 v0, v5;
	v7 =	vld [tilespmem:s23+$0x280];
	_ =	sdelay $0x4  }
0x2d6: {  	[tilespmem:v6+s20+$0x0] =	vst.idx.add.f32.msk $0xffff, v7  }
0x2d7: {  	v5 =	vor.u32 v3, v5;
	v6 =	vld [tilespmem:s23+$0x290];
	_ =	sdelay $0x4  }
0x2d8: {  	[tilespmem:v5+s20+$0x0] =	vst.idx.add.f32.msk $0xffff, v6  }
0x2d9: {  	v5 =	vor.u32 v0, v4;
	v6 =	vld [tilespmem:s23+$0x300];
	_ =	sdelay $0x4  }
0x2da: {  	[tilespmem:v5+s20+$0x0] =	vst.idx.add.f32.msk $0xffff, v6  }
0x2db: {  	v4 =	vor.u32 v3, v4;
	v5 =	vld [tilespmem:s23+$0x310];
	_ =	sdelay $0x4  }
0x2dc: {  	[tilespmem:v4+s20+$0x0] =	vst.idx.add.f32.msk $0xffff, v5  }
0x2dd: {  	v4 =	vor.u32 s26, v0;
	v5 =	vld [tilespmem:s23+$0x380];
	_ =	sdelay $0x1  }
.Ltmp12:
0x2de: {  	(pc) =	sbr.rel @p2 .LBB2_17-.Ltmp12, $3  }
0x2df: {  	_ =	sdelay $0x1  }
0x2e0: {  	[tilespmem:v4+s20+$0x0] =	vst.idx.add.f32.msk $0xffff, v5  }
0x2e1: {  	v5 =	vor.u32 s26, v3;
	s26 =	smov.u32 s25;
	v4 =	vld [tilespmem:s23+$0x390]  }
0x2e2: {  	_ =	sdelay $0x3  }
0x2e3: {  	s24 =	sshra.s32 s24, $0x2;
	[tilespmem:v5+s20+$0x0] =	vst.idx.add.f32.msk $0xffff, v4  }
0x2e4: {  	v4 =	vld [tilespmem:s24+$0x10000];
	_ =	sdelay $0x5  }
0x2e5: {  	v5 =	vshll.u32 v4, $0x5  }
0x2e6: {  	v6 =	vbroadcast v5, $0x0  }
0x2e7: {  	s23 =	sadd.s32 $0x800, s23;
	[tilespmem:v4+s19+$0x0] =	vst.idx.add.f32.msk vm0, v2  }
0x2e8: {  	v4 =	vor.u32 v0, v6;
	v7 =	vld [tilespmem:s23+$0xFFFFFC00];
	_ =	sdelay $0x4  }
0x2e9: {  	[tilespmem:v4+s20+$0x0] =	vst.idx.add.f32.msk $0xffff, v7  }
0x2ea: {  	v6 =	vor.u32 v3, v6;
	v4 =	vld [tilespmem:s23+$0xFFFFFC10];
	_ =	sdelay $0x3  }
0x2eb: {  	v38 =	vbroadcast v5, $0x1  }
0x2ec: {  	[tilespmem:v6+s20+$0x0] =	vst.idx.add.f32.msk $0xffff, v4  }
0x2ed: {  	v4 =	vor.u32 v0, v38;
	v6 =	vld [tilespmem:s23+$0xFFFFFC80];
	_ =	sdelay $0x4  }
0x2ee: {  	[tilespmem:v4+s20+$0x0] =	vst.idx.add.f32.msk $0xffff, v6  }
0x2ef: {  	v39 =	vor.u32 v3, v38;
	v4 =	vld [tilespmem:s23+$0xFFFFFC90];
	_ =	sdelay $0x3  }
0x2f0: {  	v40 =	vbroadcast v5, $0x2  }
0x2f1: {  	[tilespmem:v39+s20+$0x0] =	vst.idx.add.f32.msk $0xffff, v4  }
0x2f2: {  	v4 =	vor.u32 v0, v40;
	v6 =	vld [tilespmem:s23+$0xFFFFFD00];
	_ =	sdelay $0x4  }
0x2f3: {  	[tilespmem:v4+s20+$0x0] =	vst.idx.add.f32.msk $0xffff, v6  }
0x2f4: {  	v41 =	vor.u32 v3, v40;
	v4 =	vld [tilespmem:s23+$0xFFFFFD10];
	_ =	sdelay $0x3  }
0x2f5: {  	v42 =	vbroadcast v5, $0x3  }
0x2f6: {  	[tilespmem:v41+s20+$0x0] =	vst.idx.add.f32.msk $0xffff, v4  }
0x2f7: {  	v4 =	vor.u32 v0, v42;
	v6 =	vld [tilespmem:s23+$0xFFFFFD80];
	_ =	sdelay $0x4  }
0x2f8: {  	[tilespmem:v4+s20+$0x0] =	vst.idx.add.f32.msk $0xffff, v6  }
0x2f9: {  	v43 =	vor.u32 v3, v42;
	v4 =	vld [tilespmem:s23+$0xFFFFFD90];
	_ =	sdelay $0x3  }
0x2fa: {  	v44 =	vbroadcast v5, $0x4  }
0x2fb: {  	[tilespmem:v43+s20+$0x0] =	vst.idx.add.f32.msk $0xffff, v4  }
0x2fc: {  	v4 =	vor.u32 v0, v44;
	v6 =	vld [tilespmem:s23+$0xFFFFFE00];
	_ =	sdelay $0x4  }
0x2fd: {  	[tilespmem:v4+s20+$0x0] =	vst.idx.add.f32.msk $0xffff, v6  }
0x2fe: {  	v45 =	vor.u32 v3, v44;
	v4 =	vld [tilespmem:s23+$0xFFFFFE10];
	_ =	sdelay $0x3  }
0x2ff: {  	v46 =	vbroadcast v5, $0x5  }
0x300: {  	[tilespmem:v45+s20+$0x0] =	vst.idx.add.f32.msk $0xffff, v4  }
0x301: {  	v4 =	vor.u32 v0, v46;
	v6 =	vld [tilespmem:s23+$0xFFFFFE80];
	_ =	sdelay $0x4  }
0x302: {  	[tilespmem:v4+s20+$0x0] =	vst.idx.add.f32.msk $0xffff, v6  }
0x303: {  	v47 =	vor.u32 v3, v46;
	v4 =	vld [tilespmem:s23+$0xFFFFFE90];
	_ =	sdelay $0x3  }
0x304: {  	v48 =	vbroadcast v5, $0x6  }
0x305: {  	[tilespmem:v47+s20+$0x0] =	vst.idx.add.f32.msk $0xffff, v4  }
0x306: {  	v4 =	vor.u32 v0, v48;
	v6 =	vld [tilespmem:s23+$0xFFFFFF00];
	_ =	sdelay $0x4  }
0x307: {  	[tilespmem:v4+s20+$0x0] =	vst.idx.add.f32.msk $0xffff, v6  }
0x308: {  	v49 =	vor.u32 v3, v48;
	v4 =	vld [tilespmem:s23+$0xFFFFFF10];
	_ =	sdelay $0x3  }
0x309: {  	v50 =	vbroadcast v5, $0x7  }
0x30a: {  	[tilespmem:v49+s20+$0x0] =	vst.idx.add.f32.msk $0xffff, v4  }
0x30b: {  	v4 =	vor.u32 v0, v50;
	v6 =	vld [tilespmem:s23+$0xFFFFFF80];
	_ =	sdelay $0x4  }
0x30c: {  	[tilespmem:v4+s20+$0x0] =	vst.idx.add.f32.msk $0xffff, v6  }
0x30d: {  	v51 =	vor.u32 v3, v50;
	v4 =	vld [tilespmem:s23+$0xFFFFFF90];
	_ =	sdelay $0x3  }
0x30e: {  	v52 =	vbroadcast v5, $0x8  }
0x30f: {  	[tilespmem:v51+s20+$0x0] =	vst.idx.add.f32.msk $0xffff, v4  }
0x310: {  	v4 =	vor.u32 v0, v52;
	v6 =	vld [tilespmem:s23+$0x0];
	_ =	sdelay $0x4  }
0x311: {  	[tilespmem:v4+s20+$0x0] =	vst.idx.add.f32.msk $0xffff, v6  }
0x312: {  	v53 =	vor.u32 v3, v52;
	v4 =	vld [tilespmem:s23+$0x10];
	_ =	sdelay $0x3  }
0x313: {  	v54 =	vbroadcast v5, $0x9  }
0x314: {  	[tilespmem:v53+s20+$0x0] =	vst.idx.add.f32.msk $0xffff, v4  }
0x315: {  	v4 =	vor.u32 v0, v54;
	v6 =	vld [tilespmem:s23+$0x80];
	_ =	sdelay $0x4  }
0x316: {  	[tilespmem:v4+s20+$0x0] =	vst.idx.add.f32.msk $0xffff, v6  }
0x317: {  	v55 =	vor.u32 v3, v54;
	v4 =	vld [tilespmem:s23+$0x90];
	_ =	sdelay $0x3  }
0x318: {  	v56 =	vbroadcast v5, $0xA  }
0x319: {  	[tilespmem:v55+s20+$0x0] =	vst.idx.add.f32.msk $0xffff, v4  }
0x31a: {  	v4 =	vor.u32 v0, v56;
	v6 =	vld [tilespmem:s23+$0x100];
	_ =	sdelay $0x4  }
0x31b: {  	[tilespmem:v4+s20+$0x0] =	vst.idx.add.f32.msk $0xffff, v6  }
0x31c: {  	v57 =	vor.u32 v3, v56;
	v4 =	vld [tilespmem:s23+$0x110];
	_ =	sdelay $0x3  }
0x31d: {  	v58 =	vbroadcast v5, $0xB  }
0x31e: {  	[tilespmem:v57+s20+$0x0] =	vst.idx.add.f32.msk $0xffff, v4  }
0x31f: {  	v4 =	vor.u32 v0, v58;
	v6 =	vld [tilespmem:s23+$0x180];
	_ =	sdelay $0x4  }
0x320: {  	[tilespmem:v4+s20+$0x0] =	vst.idx.add.f32.msk $0xffff, v6  }
0x321: {  	v59 =	vor.u32 v3, v58;
	v4 =	vld [tilespmem:s23+$0x190];
	_ =	sdelay $0x3  }
0x322: {  	v60 =	vbroadcast v5, $0xC  }
0x323: {  	[tilespmem:v59+s20+$0x0] =	vst.idx.add.f32.msk $0xffff, v4  }
0x324: {  	v4 =	vor.u32 v0, v60;
	v6 =	vld [tilespmem:s23+$0x200];
	_ =	sdelay $0x4  }
0x325: {  	[tilespmem:v4+s20+$0x0] =	vst.idx.add.f32.msk $0xffff, v6  }
0x326: {  	v61 =	vor.u32 v3, v60;
	v4 =	vld [tilespmem:s23+$0x210];
	_ =	sdelay $0x3  }
0x327: {  	v62 =	vbroadcast v5, $0xD  }
0x328: {  	[tilespmem:v61+s20+$0x0] =	vst.idx.add.f32.msk $0xffff, v4  }
0x329: {  	v4 =	vor.u32 v0, v62;
	v6 =	vld [tilespmem:s23+$0x280];
	_ =	sdelay $0x4  }
0x32a: {  	[tilespmem:v4+s20+$0x0] =	vst.idx.add.f32.msk $0xffff, v6  }
0x32b: {  	v63 =	vor.u32 v3, v62;
	v4 =	vld [tilespmem:s23+$0x290];
	_ =	sdelay $0x1  }
0x32c: {  	(v2sf) =	vpush v5, $0xF;
	_ =	sdelay $0x1  }
0x32d: {  	v5 =	vbroadcast v5, $0xE  }
0x32e: {  	[tilespmem:v63+s20+$0x0] =	vst.idx.add.f32.msk $0xffff, v4  }
0x32f: {  	v4 =	vor.u32 v0, v5;
	v6 =	vld [tilespmem:s23+$0x300];
	_ =	sdelay $0x4  }
0x330: {  	[tilespmem:v4+s20+$0x0] =	vst.idx.add.f32.msk $0xffff, v6  }
0x331: {  	v5 =	vor.u32 v3, v5;
	v4 =	vld [tilespmem:s23+$0x310];
	_ =	sdelay $0x4  }
0x332: {  	s31 =	spop (v2sf);
	[tilespmem:v5+s20+$0x0] =	vst.idx.add.f32.msk $0xffff, v4  }
0x333: {  	v4 =	vor.u32 s31, v0;
	v5 =	vld [tilespmem:s23+$0x380];
	_ =	sdelay $0x4  }
0x334: {  	[tilespmem:v4+s20+$0x0] =	vst.idx.add.f32.msk $0xffff, v5  }
0x335: {  	v5 =	vor.u32 s31, v3;
	v4 =	vld [tilespmem:s23+$0x390]  }
.Ltmp13:
0x336: {  	_ = 	snop;
	(pc) =	sbr.rel .LBB2_19-.Ltmp13, $2  }
0x337: {  	_ =	sdelay $0x2  }
0x338: {  	[tilespmem:v5+s20+$0x0] =	vst.idx.add.f32.msk $0xffff, v4  }
.LBB2_20:
0x339: {  	_ =	sfence.sel $0x180000  }
0x33a: {  	[bflag:$0x0] =	sbarrier.arrive $0xFFFF  }
0x33b: {  	p0 =	sne.s32 s1, $0x0;
	_ =	strace $0x90000047  }
0x33c: {  	s0 =	sadd.s32 @!p0 $0x100000, s0;
	[bflag:$0x2] =	sbarrier.arrive $0xFFFF  }
0x33d: {  	[sflag:s0] =	ssyncadd.tile.s32 @!p0 $0x1;
	_ =	shalt  }
.Lfunc_end2:
_tile_overlayer_lowered:
.L_overlay_start_2:
0x33e: {  	(tag) =	ssettag $0x2  }
0x33f: {  	s0 =	rddreg [dreg:$0x0];
	s2 =	stileid.u32  }
0x340: {  	s1 =	rddreg [dreg:$0x1];
	p0 =	sne.s32 s2, $0x0  }
0x341: {  	s3 =	rddreg [dreg:$0x2];
	[bflag:$0x3] =	sbarrier.arrive $0xFFFF;
	s2 =	simm.s32 @!p0 $0x1C03  }
0x342: {  	[timem:s3], [sflag:s2] =	dma.local @!p0 [hbm:s0], s1  }
0x343: {  	s0 =	simm.s32 @!p0 $0x3  }
0x344: {  	_ =	swait.ge @!p0 [sflag:s0], s1  }
0x345: {  	s1 =	ssub.s32 @!p0 $0x0, s1;
	[sflag:s0] =	ssyncset.done @!p0 $0x0  }
0x346: {  	[sflag:s0] =	ssyncadd.s32 @!p0 s1  }
0x347: {  	[bflag:$0x3] =	sbarrier.arrive $0xFFFF  }
0x348: {  	_ =	shalt  }

</sc_bundles>
